<compile_context>
chip_gen: v7x
topology: tpu7x:2x2x1
jax: 0.10.2.dev20260603
libtpu: 0.0.44.dev20260713+nightly
codegen_flags: <defaults>
</compile_context>

<pallas_src>
import functools

import jax
import jax.numpy as jnp
from jax import lax
from jax.experimental import pallas as pl
from jax.experimental.pallas import tpu as pltpu
from jax.experimental.pallas import tpu_sc as plsc

N_NODES = 10000
N_EDGES = 320000
D = 128
DH = 64
CW = 16
NUM_IDX = 2000

NC = 2
NS = 16
NW = NC * NS
K = 100
CH_PER_TILE = N_EDGES // (NS * K)
N_PAD = 10240
ROWS_PER_TILE = N_PAD // NS
ZROWS = 128
NID_K = 100
NID_CHUNKS = NUM_IDX // NID_K


def _sc_body(xh_hbm, src_hbm, dst_hbm, nid_hbm, ones_hbm, idsrc_hbm,
             feat_hbm, cnt_hbm,
             srcv, dstv, bufa, bufb, onesv, idsrcv, zbuf, zcnt, nidv,
             acc, cac, sema, semb):
    c = lax.axis_index("c")
    s = lax.axis_index("s")

    def zrow(i, carry):
        for jj in range(DH // 16):
            zbuf[i, pl.ds(jj * 16, 16)] = jnp.zeros((16,), jnp.float32)
        zcnt[i, pl.ds(0, 16)] = jnp.zeros((16,), jnp.float32)
        return carry

    lax.fori_loop(0, ZROWS, zrow, 0)
    for r in range(ROWS_PER_TILE // ZROWS):
        base = s * ROWS_PER_TILE + r * ZROWS
        pltpu.sync_copy(zbuf, acc.at[pl.ds(base, ZROWS)])
        pltpu.sync_copy(zcnt, cac.at[pl.ds(base, ZROWS)])
    plsc.subcore_barrier()

    pltpu.sync_copy(src_hbm.at[c, s], srcv)
    pltpu.sync_copy(dst_hbm.at[s], dstv)
    pltpu.sync_copy(ones_hbm, onesv)

    pltpu.async_copy(xh_hbm.at[srcv.at[0]], bufa, sema)
    pltpu.async_copy(xh_hbm.at[srcv.at[1]], bufb, semb)

    def body(it, carry):
        j = it * 2
        do_cnt = (j < CH_PER_TILE // 2) == (c == 0)
        pltpu.make_async_copy(xh_hbm.at[srcv.at[j]], bufa, sema).wait()
        pltpu.sync_copy(bufa, acc.at[dstv.at[j]], add=True)

        @pl.when(do_cnt)
        def _():
            pltpu.sync_copy(onesv, cac.at[dstv.at[j]], add=True)

        @pl.when(j + 2 < CH_PER_TILE)
        def _():
            pltpu.async_copy(xh_hbm.at[srcv.at[j + 2]], bufa, sema)

        pltpu.make_async_copy(xh_hbm.at[srcv.at[j + 1]], bufb, semb).wait()
        pltpu.sync_copy(bufb, acc.at[dstv.at[j + 1]], add=True)

        @pl.when(do_cnt)
        def _():
            pltpu.sync_copy(onesv, cac.at[dstv.at[j + 1]], add=True)

        @pl.when(j + 3 < CH_PER_TILE)
        def _():
            pltpu.async_copy(xh_hbm.at[srcv.at[j + 3]], bufb, semb)

        return carry

    lax.fori_loop(0, CH_PER_TILE // 2, body, 0)

    @pl.when((c == 0) & (s < NID_CHUNKS // 2))
    def _():
        pltpu.sync_copy(nid_hbm, nidv)
        pltpu.sync_copy(idsrc_hbm, idsrcv)

        def idbody(j, carry):
            pltpu.sync_copy(idsrcv, cac.at[nidv.at[j]], add=True)
            return carry

        lax.fori_loop(s * 2, s * 2 + 2, idbody, 0)

    plsc.subcore_barrier()

    rb = s * ROWS_PER_TILE
    pltpu.sync_copy(acc.at[pl.ds(rb, ROWS_PER_TILE)],
                    feat_hbm.at[c, pl.ds(rb, ROWS_PER_TILE)])
    pltpu.sync_copy(cac.at[pl.ds(rb, ROWS_PER_TILE)],
                    cnt_hbm.at[c, pl.ds(rb, ROWS_PER_TILE)])


_sc_call = functools.partial(
    pl.kernel,
    out_type=(jax.ShapeDtypeStruct((NC, N_PAD, DH), jnp.float32),
              jax.ShapeDtypeStruct((NC, N_PAD, CW), jnp.float32)),
    mesh=plsc.VectorSubcoreMesh(core_axis_name="c", subcore_axis_name="s"),
    compiler_params=pltpu.CompilerParams(use_tc_tiling_on_sc=False),
    scratch_types=[
        pltpu.VMEM((CH_PER_TILE, K), jnp.int32),
        pltpu.VMEM((CH_PER_TILE, K), jnp.int32),
        pltpu.VMEM((K, DH), jnp.float32),
        pltpu.VMEM((K, DH), jnp.float32),
        pltpu.VMEM((K, CW), jnp.float32),
        pltpu.VMEM((NID_K, CW), jnp.float32),
        pltpu.VMEM((ZROWS, DH), jnp.float32),
        pltpu.VMEM((ZROWS, CW), jnp.float32),
        pltpu.VMEM((NID_CHUNKS, NID_K), jnp.int32),
        pltpu.VMEM_SHARED((N_PAD, DH), jnp.float32),
        pltpu.VMEM_SHARED((N_PAD, CW), jnp.float32),
        pltpu.SemaphoreType.DMA,
        pltpu.SemaphoreType.DMA,
    ],
)(_sc_body)


BLK = 1000


def _tc_body(x_ref, feat_ref, cnt_ref, w_ref, wid_ref, out_ref):
    cnt = cnt_ref[0, :, 0:1] + cnt_ref[1, :, 0:1]
    idc = cnt_ref[0, :, 1:2] + cnt_ref[1, :, 1:2]
    inv = 1.0 / jnp.maximum(cnt, 1.0)
    aggr = jnp.concatenate(
        [x_ref[...], feat_ref[0] * inv, feat_ref[1] * inv], axis=1)
    hp = jax.lax.Precision.HIGHEST
    out_ref[...] = (jnp.dot(aggr, w_ref[...], precision=hp)
                    + idc * jnp.dot(aggr, wid_ref[...], precision=hp))


_tc_call = pl.pallas_call(
    _tc_body,
    out_shape=jax.ShapeDtypeStruct((N_NODES, D), jnp.float32),
    grid=(N_NODES // BLK,),
    in_specs=[
        pl.BlockSpec((BLK, D), lambda i: (i, 0)),
        pl.BlockSpec((NC, BLK, DH), lambda i: (0, i, 0)),
        pl.BlockSpec((NC, BLK, CW), lambda i: (0, i, 0)),
        pl.BlockSpec((2 * D, D), lambda i: (0, 0)),
        pl.BlockSpec((2 * D, D), lambda i: (0, 0)),
    ],
    out_specs=pl.BlockSpec((BLK, D), lambda i: (i, 0)),
)


def kernel(node_feature, edge_index, node_id_index, weight, weight_id):
    x = node_feature
    xh = x.reshape(2 * N_NODES, DH)
    src_r = edge_index[0].reshape(NS, CH_PER_TILE, K)
    src3 = jnp.stack([src_r * 2, src_r * 2 + 1])
    dst3 = edge_index[1].reshape(NS, CH_PER_TILE, K)
    nid2 = node_id_index.reshape(NID_CHUNKS, NID_K)
    col = jax.lax.broadcasted_iota(jnp.int32, (1, CW), 1)
    ones_rows = jnp.broadcast_to((col == 0).astype(jnp.float32), (K, CW))
    idsrc_rows = jnp.broadcast_to((col == 1).astype(jnp.float32), (NID_K, CW))
    feat, cnt = _sc_call(xh, src3, dst3, nid2, ones_rows, idsrc_rows)
    return _tc_call(x, feat, cnt, weight, weight_id)

# --- scband reference (transcript-rebuilt; emitter-appended) ---
"""Pipeline reference for scband-sageidconv-36000415875687 (READ-ONLY COPY).

The authoritative reference and input builder live on the scoring server;
editing this copy changes nothing except your own understanding.
"""

import jax, jax.numpy as jnp
import numpy as np

N = 10000
E = 320000
D_IN = 128
D_OUT = 128
NUM_ID = 2000


def _glorot(key, shape):
    fan_in, fan_out = shape[0], shape[1]
    a = float(np.sqrt(6.0 / (fan_in + fan_out)))
    return jax.random.uniform(key, shape, dtype=jnp.float32, minval=-a, maxval=a)


def setup_inputs(seed: int = 0) -> dict:
    key = jax.random.key(seed)
    k1, k2, k3, k4, k5 = jax.random.split(key, 5)
    node_feature = jax.random.normal(k1, (N, D_IN), dtype=jnp.float32)
    edge_index = jax.random.randint(k2, (2, E), 0, N).astype(jnp.int32)
    node_id_index = jax.random.randint(k3, (NUM_ID,), 0, N).astype(jnp.int32)
    # concat=True -> effective in_channels = 2 * D_IN
    weight = _glorot(k4, (2 * D_IN, D_OUT))
    weight_id = _glorot(k5, (2 * D_IN, D_OUT))
    return {
        "node_feature": node_feature,
        "edge_index": edge_index,
        "node_id_index": node_id_index,
        "weight": weight,
        "weight_id": weight_id,
    }


def reference(node_feature, edge_index, node_id_index, weight, weight_id):
    # SAGEIDConvLayer with aggr='mean', concat=True, bias=False, normalize=False.
    # concat=True -> no self loops added.
    src = edge_index[0]
    dst = edge_index[1]
    # mean aggregation of neighbor messages x_j onto target nodes i
    summed = jax.ops.segment_sum(node_feature[src], dst, num_segments=N)
    count = jax.ops.segment_sum(jnp.ones((E,), dtype=node_feature.dtype), dst, num_segments=N)
    mean = summed / jnp.clip(count, 1.0, None)[:, None]
    # update: concat central node features with aggregated features
    aggr_out = jnp.concatenate([node_feature, mean], axis=-1)
    # ID-node specific transform, added back via index_add
    aggr_out_id = jnp.take(aggr_out, node_id_index, axis=0) @ weight_id
    out = aggr_out @ weight
    out = out.at[node_id_index].add(aggr_out_id)
    return out

if __name__ == "__main__":
    import jax
    _d = setup_inputs()
    print(jax.jit(kernel)(*tuple(_d.values())))

</pallas_src>

<mosaic_0001>
#map = affine_map<(d0, d1) -> (0, 0)>
#map1 = affine_map<(d0, d1) -> (0, 0, 0, 0)>
#map2 = affine_map<(d0, d1) -> (0, 0, 0)>
module attributes {stable_mosaic.version = 14 : i64} {
  func.func @_sc_body(%arg0: i32, %arg1: i32, %arg2: memref<20000x64xf32, #tpu.memory_space<hbm>>, %arg3: memref<2x16x200x100xi32, #tpu.memory_space<hbm>>, %arg4: memref<16x200x100xi32, #tpu.memory_space<hbm>>, %arg5: memref<20x100xi32, #tpu.memory_space<hbm>>, %arg6: memref<100x16xf32, #tpu.memory_space<hbm>>, %arg7: memref<100x16xf32, #tpu.memory_space<hbm>>, %arg8: memref<2x10240x64xf32, #tpu.memory_space<hbm>>, %arg9: memref<2x10240x16xf32, #tpu.memory_space<hbm>>, %arg10: memref<200x100xi32, #tpu.memory_space<vmem>>, %arg11: memref<200x100xi32, #tpu.memory_space<vmem>>, %arg12: memref<100x64xf32, #tpu.memory_space<vmem>>, %arg13: memref<100x64xf32, #tpu.memory_space<vmem>>, %arg14: memref<100x16xf32, #tpu.memory_space<vmem>>, %arg15: memref<100x16xf32, #tpu.memory_space<vmem>>, %arg16: memref<128x64xf32, #tpu.memory_space<vmem>>, %arg17: memref<128x16xf32, #tpu.memory_space<vmem>>, %arg18: memref<20x100xi32, #tpu.memory_space<vmem>>, %arg19: memref<10240x64xf32, #tpu.memory_space<vmem_shared>>, %arg20: memref<10240x16xf32, #tpu.memory_space<vmem_shared>>, %arg21: memref<!tpu.dma_semaphore, #tpu.memory_space<semaphore_mem>>, %arg22: memref<!tpu.dma_semaphore, #tpu.memory_space<semaphore_mem>>) attributes {dimension_semantics = [#tpu.dimension_semantics<core_parallel>, #tpu.dimension_semantics<subcore_parallel>], iteration_bounds = array<i64: 2, 16>, scalar_prefetch = 0 : i64, scratch_operands = 13 : i64, tpu.core_type = #tpu.core_type<sc_vector_subcore>, window_params = [{transform_indices = #map}, {transform_indices = #map1}, {transform_indices = #map2}, {transform_indices = #map}, {transform_indices = #map}, {transform_indices = #map}, {transform_indices = #map2}, {transform_indices = #map2}]} {
    %scan3A = arith.constant 0 : i32
    %scan3A_0 = arith.constant 0 : i32
    %scan3A_1 = arith.constant 128 : i32
    %scan3A_2 = arith.addi %scan3A_0, %scan3A_1 : i32
    %scan3A_3 = arith.constant 1 : i32
    scf.for %scan3A_48 = %scan3A_0 to %scan3A_2 step %scan3A_3  : i32 {
      %broadcast_in_dim3A = arith.constant 0.000000e+00 : f32
      %broadcast_in_dim3A_49 = vector.broadcast %broadcast_in_dim3A : f32 to vector<16xf32>
      %swap3A = arith.index_cast %scan3A_48 : i32 to index
      %swap3A_50 = arith.constant 0 : index
      %swap3A_51 = tpu.vector_load %arg16[%swap3A, %swap3A_50] {strides = array<i32>} : memref<128x64xf32, #tpu.memory_space<vmem>>, vector<1x16xf32>,
      %swap3A_52 = vector.shape_cast %swap3A_51 : vector<1x16xf32> to vector<16xf32>
      %swap3A_53 = vector.shape_cast %broadcast_in_dim3A_49 : vector<16xf32> to vector<1x16xf32>
      tpu.vector_store %arg16[%swap3A, %swap3A_50], %swap3A_53 {strides = array<i32>} : memref<128x64xf32, #tpu.memory_space<vmem>>, vector<1x16xf32>,
      %broadcast_in_dim3A_54 = arith.constant 0.000000e+00 : f32
      %broadcast_in_dim3A_55 = vector.broadcast %broadcast_in_dim3A_54 : f32 to vector<16xf32>
      %swap3A_56 = arith.index_cast %scan3A_48 : i32 to index
      %swap3A_57 = arith.constant 16 : index
      %swap3A_58 = tpu.vector_load %arg16[%swap3A_56, %swap3A_57] {strides = array<i32>} : memref<128x64xf32, #tpu.memory_space<vmem>>, vector<1x16xf32>,
      %swap3A_59 = vector.shape_cast %swap3A_58 : vector<1x16xf32> to vector<16xf32>
      %swap3A_60 = vector.shape_cast %broadcast_in_dim3A_55 : vector<16xf32> to vector<1x16xf32>
      tpu.vector_store %arg16[%swap3A_56, %swap3A_57], %swap3A_60 {strides = array<i32>} : memref<128x64xf32, #tpu.memory_space<vmem>>, vector<1x16xf32>,
      %broadcast_in_dim3A_61 = arith.constant 0.000000e+00 : f32
      %broadcast_in_dim3A_62 = vector.broadcast %broadcast_in_dim3A_61 : f32 to vector<16xf32>
      %swap3A_63 = arith.index_cast %scan3A_48 : i32 to index
      %swap3A_64 = arith.constant 32 : index
      %swap3A_65 = tpu.vector_load %arg16[%swap3A_63, %swap3A_64] {strides = array<i32>} : memref<128x64xf32, #tpu.memory_space<vmem>>, vector<1x16xf32>,
      %swap3A_66 = vector.shape_cast %swap3A_65 : vector<1x16xf32> to vector<16xf32>
      %swap3A_67 = vector.shape_cast %broadcast_in_dim3A_62 : vector<16xf32> to vector<1x16xf32>
      tpu.vector_store %arg16[%swap3A_63, %swap3A_64], %swap3A_67 {strides = array<i32>} : memref<128x64xf32, #tpu.memory_space<vmem>>, vector<1x16xf32>,
      %broadcast_in_dim3A_68 = arith.constant 0.000000e+00 : f32
      %broadcast_in_dim3A_69 = vector.broadcast %broadcast_in_dim3A_68 : f32 to vector<16xf32>
      %swap3A_70 = arith.index_cast %scan3A_48 : i32 to index
      %swap3A_71 = arith.constant 48 : index
      %swap3A_72 = tpu.vector_load %arg16[%swap3A_70, %swap3A_71] {strides = array<i32>} : memref<128x64xf32, #tpu.memory_space<vmem>>, vector<1x16xf32>,
      %swap3A_73 = vector.shape_cast %swap3A_72 : vector<1x16xf32> to vector<16xf32>
      %swap3A_74 = vector.shape_cast %broadcast_in_dim3A_69 : vector<16xf32> to vector<1x16xf32>
      tpu.vector_store %arg16[%swap3A_70, %swap3A_71], %swap3A_74 {strides = array<i32>} : memref<128x64xf32, #tpu.memory_space<vmem>>, vector<1x16xf32>,
      %broadcast_in_dim3A_75 = arith.constant 0.000000e+00 : f32
      %broadcast_in_dim3A_76 = vector.broadcast %broadcast_in_dim3A_75 : f32 to vector<16xf32>
      %swap3A_77 = arith.index_cast %scan3A_48 : i32 to index
      %swap3A_78 = arith.constant 0 : index
      %swap3A_79 = tpu.vector_load %arg17[%swap3A_77, %swap3A_78] {strides = array<i32>} : memref<128x16xf32, #tpu.memory_space<vmem>>, vector<1x16xf32>,
      %swap3A_80 = vector.shape_cast %swap3A_79 : vector<1x16xf32> to vector<16xf32>
      %swap3A_81 = vector.shape_cast %broadcast_in_dim3A_76 : vector<16xf32> to vector<1x16xf32>
      tpu.vector_store %arg17[%swap3A_77, %swap3A_78], %swap3A_81 {strides = array<i32>} : memref<128x16xf32, #tpu.memory_space<vmem>>, vector<1x16xf32>,
    }
    %scan3A_4 = arith.constant 128 : i32
    %mul3A = arith.constant 640 : i32
    %mul3A_5 = arith.muli %arg1, %mul3A : i32
    %add3A = arith.constant 0 : i32
    %add3A_6 = arith.addi %mul3A_5, %add3A : i32
    "tpu.region"() ({
      %run_scoped3A = tpu.sem_alloc : memref<!tpu.dma_semaphore, #tpu.memory_space<semaphore_mem>>
      %dma_start3A_48 = arith.constant 0 : i32
      %dma_start3A_49 = tpu.memref_slice %arg19[%add3A_6, %dma_start3A_48] : memref<10240x64xf32, #tpu.memory_space<vmem_shared>> -> memref<128x64xf32, #tpu.memory_space<vmem_shared>>
      %dma_start3A_50 = arith.constant 0 : i32
      %dma_start3A_51 = tpu.memref_slice %arg19[%add3A_6, %dma_start3A_50] : memref<10240x64xf32, #tpu.memory_space<vmem_shared>> -> memref<128x64xf32, #tpu.memory_space<vmem_shared>>
      tpu.enqueue_dma source(%arg16 : memref<128x64xf32, #tpu.memory_space<vmem>>) target(%dma_start3A_51 : memref<128x64xf32, #tpu.memory_space<vmem_shared>>) target_semaphore(%run_scoped3A : memref<!tpu.dma_semaphore, #tpu.memory_space<semaphore_mem>>)
      %dma_wait3A = arith.constant 0 : i32
      %dma_wait3A_52 = tpu.memref_slice %arg19[%add3A_6, %dma_wait3A] : memref<10240x64xf32, #tpu.memory_space<vmem_shared>> -> memref<128x64xf32, #tpu.memory_space<vmem_shared>>
      %dma_wait3A_53 = arith.constant 0 : i32
      %dma_wait3A_54 = tpu.memref_slice %arg19[%add3A_6, %dma_wait3A_53] : memref<10240x64xf32, #tpu.memory_space<vmem_shared>> -> memref<128x64xf32, #tpu.memory_space<vmem_shared>>
      tpu.wait_dma2 semaphore(%run_scoped3A : memref<!tpu.dma_semaphore, #tpu.memory_space<semaphore_mem>>) src(%arg16 : memref<128x64xf32, #tpu.memory_space<vmem>>) dst(%dma_wait3A_54 : memref<128x64xf32, #tpu.memory_space<vmem_shared>>)
      tpu.yield
    }) : () -> ()
    "tpu.region"() ({
      %run_scoped3A = tpu.sem_alloc : memref<!tpu.dma_semaphore, #tpu.memory_space<semaphore_mem>>
      %dma_start3A_48 = arith.constant 0 : i32
      %dma_start3A_49 = tpu.memref_slice %arg20[%add3A_6, %dma_start3A_48] : memref<10240x16xf32, #tpu.memory_space<vmem_shared>> -> memref<128x16xf32, #tpu.memory_space<vmem_shared>>
      %dma_start3A_50 = arith.constant 0 : i32
      %dma_start3A_51 = tpu.memref_slice %arg20[%add3A_6, %dma_start3A_50] : memref<10240x16xf32, #tpu.memory_space<vmem_shared>> -> memref<128x16xf32, #tpu.memory_space<vmem_shared>>
      tpu.enqueue_dma source(%arg17 : memref<128x16xf32, #tpu.memory_space<vmem>>) target(%dma_start3A_51 : memref<128x16xf32, #tpu.memory_space<vmem_shared>>) target_semaphore(%run_scoped3A : memref<!tpu.dma_semaphore, #tpu.memory_space<semaphore_mem>>)
      %dma_wait3A = arith.constant 0 : i32
      %dma_wait3A_52 = tpu.memref_slice %arg20[%add3A_6, %dma_wait3A] : memref<10240x16xf32, #tpu.memory_space<vmem_shared>> -> memref<128x16xf32, #tpu.memory_space<vmem_shared>>
      %dma_wait3A_53 = arith.constant 0 : i32
      %dma_wait3A_54 = tpu.memref_slice %arg20[%add3A_6, %dma_wait3A_53] : memref<10240x16xf32, #tpu.memory_space<vmem_shared>> -> memref<128x16xf32, #tpu.memory_space<vmem_shared>>
      tpu.wait_dma2 semaphore(%run_scoped3A : memref<!tpu.dma_semaphore, #tpu.memory_space<semaphore_mem>>) src(%arg17 : memref<128x16xf32, #tpu.memory_space<vmem>>) dst(%dma_wait3A_54 : memref<128x16xf32, #tpu.memory_space<vmem_shared>>)
      tpu.yield
    }) : () -> ()
    %mul3A_7 = arith.constant 640 : i32
    %mul3A_8 = arith.muli %arg1, %mul3A_7 : i32
    %add3A_9 = arith.constant 128 : i32
    %add3A_10 = arith.addi %mul3A_8, %add3A_9 : i32
    "tpu.region"() ({
      %run_scoped3A = tpu.sem_alloc : memref<!tpu.dma_semaphore, #tpu.memory_space<semaphore_mem>>
      %dma_start3A_48 = arith.constant 0 : i32
      %dma_start3A_49 = tpu.memref_slice %arg19[%add3A_10, %dma_start3A_48] : memref<10240x64xf32, #tpu.memory_space<vmem_shared>> -> memref<128x64xf32, #tpu.memory_space<vmem_shared>>
      %dma_start3A_50 = arith.constant 0 : i32
      %dma_start3A_51 = tpu.memref_slice %arg19[%add3A_10, %dma_start3A_50] : memref<10240x64xf32, #tpu.memory_space<vmem_shared>> -> memref<128x64xf32, #tpu.memory_space<vmem_shared>>
      tpu.enqueue_dma source(%arg16 : memref<128x64xf32, #tpu.memory_space<vmem>>) target(%dma_start3A_51 : memref<128x64xf32, #tpu.memory_space<vmem_shared>>) target_semaphore(%run_scoped3A : memref<!tpu.dma_semaphore, #tpu.memory_space<semaphore_mem>>)
      %dma_wait3A = arith.constant 0 : i32
      %dma_wait3A_52 = tpu.memref_slice %arg19[%add3A_10, %dma_wait3A] : memref<10240x64xf32, #tpu.memory_space<vmem_shared>> -> memref<128x64xf32, #tpu.memory_space<vmem_shared>>
      %dma_wait3A_53 = arith.constant 0 : i32
      %dma_wait3A_54 = tpu.memref_slice %arg19[%add3A_10, %dma_wait3A_53] : memref<10240x64xf32, #tpu.memory_space<vmem_shared>> -> memref<128x64xf32, #tpu.memory_space<vmem_shared>>
      tpu.wait_dma2 semaphore(%run_scoped3A : memref<!tpu.dma_semaphore, #tpu.memory_space<semaphore_mem>>) src(%arg16 : memref<128x64xf32, #tpu.memory_space<vmem>>) dst(%dma_wait3A_54 : memref<128x64xf32, #tpu.memory_space<vmem_shared>>)
      tpu.yield
    }) : () -> ()
    "tpu.region"() ({
      %run_scoped3A = tpu.sem_alloc : memref<!tpu.dma_semaphore, #tpu.memory_space<semaphore_mem>>
      %dma_start3A_48 = arith.constant 0 : i32
      %dma_start3A_49 = tpu.memref_slice %arg20[%add3A_10, %dma_start3A_48] : memref<10240x16xf32, #tpu.memory_space<vmem_shared>> -> memref<128x16xf32, #tpu.memory_space<vmem_shared>>
      %dma_start3A_50 = arith.constant 0 : i32
      %dma_start3A_51 = tpu.memref_slice %arg20[%add3A_10, %dma_start3A_50] : memref<10240x16xf32, #tpu.memory_space<vmem_shared>> -> memref<128x16xf32, #tpu.memory_space<vmem_shared>>
      tpu.enqueue_dma source(%arg17 : memref<128x16xf32, #tpu.memory_space<vmem>>) target(%dma_start3A_51 : memref<128x16xf32, #tpu.memory_space<vmem_shared>>) target_semaphore(%run_scoped3A : memref<!tpu.dma_semaphore, #tpu.memory_space<semaphore_mem>>)
      %dma_wait3A = arith.constant 0 : i32
      %dma_wait3A_52 = tpu.memref_slice %arg20[%add3A_10, %dma_wait3A] : memref<10240x16xf32, #tpu.memory_space<vmem_shared>> -> memref<128x16xf32, #tpu.memory_space<vmem_shared>>
      %dma_wait3A_53 = arith.constant 0 : i32
      %dma_wait3A_54 = tpu.memref_slice %arg20[%add3A_10, %dma_wait3A_53] : memref<10240x16xf32, #tpu.memory_space<vmem_shared>> -> memref<128x16xf32, #tpu.memory_space<vmem_shared>>
      tpu.wait_dma2 semaphore(%run_scoped3A : memref<!tpu.dma_semaphore, #tpu.memory_space<semaphore_mem>>) src(%arg17 : memref<128x16xf32, #tpu.memory_space<vmem>>) dst(%dma_wait3A_54 : memref<128x16xf32, #tpu.memory_space<vmem_shared>>)
      tpu.yield
    }) : () -> ()
    %mul3A_11 = arith.constant 640 : i32
    %mul3A_12 = arith.muli %arg1, %mul3A_11 : i32
    %add3A_13 = arith.constant 256 : i32
    %add3A_14 = arith.addi %mul3A_12, %add3A_13 : i32
    "tpu.region"() ({
      %run_scoped3A = tpu.sem_alloc : memref<!tpu.dma_semaphore, #tpu.memory_space<semaphore_mem>>
      %dma_start3A_48 = arith.constant 0 : i32
      %dma_start3A_49 = tpu.memref_slice %arg19[%add3A_14, %dma_start3A_48] : memref<10240x64xf32, #tpu.memory_space<vmem_shared>> -> memref<128x64xf32, #tpu.memory_space<vmem_shared>>
      %dma_start3A_50 = arith.constant 0 : i32
      %dma_start3A_51 = tpu.memref_slice %arg19[%add3A_14, %dma_start3A_50] : memref<10240x64xf32, #tpu.memory_space<vmem_shared>> -> memref<128x64xf32, #tpu.memory_space<vmem_shared>>
      tpu.enqueue_dma source(%arg16 : memref<128x64xf32, #tpu.memory_space<vmem>>) target(%dma_start3A_51 : memref<128x64xf32, #tpu.memory_space<vmem_shared>>) target_semaphore(%run_scoped3A : memref<!tpu.dma_semaphore, #tpu.memory_space<semaphore_mem>>)
      %dma_wait3A = arith.constant 0 : i32
      %dma_wait3A_52 = tpu.memref_slice %arg19[%add3A_14, %dma_wait3A] : memref<10240x64xf32, #tpu.memory_space<vmem_shared>> -> memref<128x64xf32, #tpu.memory_space<vmem_shared>>
      %dma_wait3A_53 = arith.constant 0 : i32
      %dma_wait3A_54 = tpu.memref_slice %arg19[%add3A_14, %dma_wait3A_53] : memref<10240x64xf32, #tpu.memory_space<vmem_shared>> -> memref<128x64xf32, #tpu.memory_space<vmem_shared>>
      tpu.wait_dma2 semaphore(%run_scoped3A : memref<!tpu.dma_semaphore, #tpu.memory_space<semaphore_mem>>) src(%arg16 : memref<128x64xf32, #tpu.memory_space<vmem>>) dst(%dma_wait3A_54 : memref<128x64xf32, #tpu.memory_space<vmem_shared>>)
      tpu.yield
    }) : () -> ()
    "tpu.region"() ({
      %run_scoped3A = tpu.sem_alloc : memref<!tpu.dma_semaphore, #tpu.memory_space<semaphore_mem>>
      %dma_start3A_48 = arith.constant 0 : i32
      %dma_start3A_49 = tpu.memref_slice %arg20[%add3A_14, %dma_start3A_48] : memref<10240x16xf32, #tpu.memory_space<vmem_shared>> -> memref<128x16xf32, #tpu.memory_space<vmem_shared>>
      %dma_start3A_50 = arith.constant 0 : i32
      %dma_start3A_51 = tpu.memref_slice %arg20[%add3A_14, %dma_start3A_50] : memref<10240x16xf32, #tpu.memory_space<vmem_shared>> -> memref<128x16xf32, #tpu.memory_space<vmem_shared>>
      tpu.enqueue_dma source(%arg17 : memref<128x16xf32, #tpu.memory_space<vmem>>) target(%dma_start3A_51 : memref<128x16xf32, #tpu.memory_space<vmem_shared>>) target_semaphore(%run_scoped3A : memref<!tpu.dma_semaphore, #tpu.memory_space<semaphore_mem>>)
      %dma_wait3A = arith.constant 0 : i32
      %dma_wait3A_52 = tpu.memref_slice %arg20[%add3A_14, %dma_wait3A] : memref<10240x16xf32, #tpu.memory_space<vmem_shared>> -> memref<128x16xf32, #tpu.memory_space<vmem_shared>>
      %dma_wait3A_53 = arith.constant 0 : i32
      %dma_wait3A_54 = tpu.memref_slice %arg20[%add3A_14, %dma_wait3A_53] : memref<10240x16xf32, #tpu.memory_space<vmem_shared>> -> memref<128x16xf32, #tpu.memory_space<vmem_shared>>
      tpu.wait_dma2 semaphore(%run_scoped3A : memref<!tpu.dma_semaphore, #tpu.memory_space<semaphore_mem>>) src(%arg17 : memref<128x16xf32, #tpu.memory_space<vmem>>) dst(%dma_wait3A_54 : memref<128x16xf32, #tpu.memory_space<vmem_shared>>)
      tpu.yield
    }) : () -> ()
    %mul3A_15 = arith.constant 640 : i32
    %mul3A_16 = arith.muli %arg1, %mul3A_15 : i32
    %add3A_17 = arith.constant 384 : i32
    %add3A_18 = arith.addi %mul3A_16, %add3A_17 : i32
    "tpu.region"() ({
      %run_scoped3A = tpu.sem_alloc : memref<!tpu.dma_semaphore, #tpu.memory_space<semaphore_mem>>
      %dma_start3A_48 = arith.constant 0 : i32
      %dma_start3A_49 = tpu.memref_slice %arg19[%add3A_18, %dma_start3A_48] : memref<10240x64xf32, #tpu.memory_space<vmem_shared>> -> memref<128x64xf32, #tpu.memory_space<vmem_shared>>
      %dma_start3A_50 = arith.constant 0 : i32
      %dma_start3A_51 = tpu.memref_slice %arg19[%add3A_18, %dma_start3A_50] : memref<10240x64xf32, #tpu.memory_space<vmem_shared>> -> memref<128x64xf32, #tpu.memory_space<vmem_shared>>
      tpu.enqueue_dma source(%arg16 : memref<128x64xf32, #tpu.memory_space<vmem>>) target(%dma_start3A_51 : memref<128x64xf32, #tpu.memory_space<vmem_shared>>) target_semaphore(%run_scoped3A : memref<!tpu.dma_semaphore, #tpu.memory_space<semaphore_mem>>)
      %dma_wait3A = arith.constant 0 : i32
      %dma_wait3A_52 = tpu.memref_slice %arg19[%add3A_18, %dma_wait3A] : memref<10240x64xf32, #tpu.memory_space<vmem_shared>> -> memref<128x64xf32, #tpu.memory_space<vmem_shared>>
      %dma_wait3A_53 = arith.constant 0 : i32
      %dma_wait3A_54 = tpu.memref_slice %arg19[%add3A_18, %dma_wait3A_53] : memref<10240x64xf32, #tpu.memory_space<vmem_shared>> -> memref<128x64xf32, #tpu.memory_space<vmem_shared>>
      tpu.wait_dma2 semaphore(%run_scoped3A : memref<!tpu.dma_semaphore, #tpu.memory_space<semaphore_mem>>) src(%arg16 : memref<128x64xf32, #tpu.memory_space<vmem>>) dst(%dma_wait3A_54 : memref<128x64xf32, #tpu.memory_space<vmem_shared>>)
      tpu.yield
    }) : () -> ()
    "tpu.region"() ({
      %run_scoped3A = tpu.sem_alloc : memref<!tpu.dma_semaphore, #tpu.memory_space<semaphore_mem>>
      %dma_start3A_48 = arith.constant 0 : i32
      %dma_start3A_49 = tpu.memref_slice %arg20[%add3A_18, %dma_start3A_48] : memref<10240x16xf32, #tpu.memory_space<vmem_shared>> -> memref<128x16xf32, #tpu.memory_space<vmem_shared>>
      %dma_start3A_50 = arith.constant 0 : i32
      %dma_start3A_51 = tpu.memref_slice %arg20[%add3A_18, %dma_start3A_50] : memref<10240x16xf32, #tpu.memory_space<vmem_shared>> -> memref<128x16xf32, #tpu.memory_space<vmem_shared>>
      tpu.enqueue_dma source(%arg17 : memref<128x16xf32, #tpu.memory_space<vmem>>) target(%dma_start3A_51 : memref<128x16xf32, #tpu.memory_space<vmem_shared>>) target_semaphore(%run_scoped3A : memref<!tpu.dma_semaphore, #tpu.memory_space<semaphore_mem>>)
      %dma_wait3A = arith.constant 0 : i32
      %dma_wait3A_52 = tpu.memref_slice %arg20[%add3A_18, %dma_wait3A] : memref<10240x16xf32, #tpu.memory_space<vmem_shared>> -> memref<128x16xf32, #tpu.memory_space<vmem_shared>>
      %dma_wait3A_53 = arith.constant 0 : i32
      %dma_wait3A_54 = tpu.memref_slice %arg20[%add3A_18, %dma_wait3A_53] : memref<10240x16xf32, #tpu.memory_space<vmem_shared>> -> memref<128x16xf32, #tpu.memory_space<vmem_shared>>
      tpu.wait_dma2 semaphore(%run_scoped3A : memref<!tpu.dma_semaphore, #tpu.memory_space<semaphore_mem>>) src(%arg17 : memref<128x16xf32, #tpu.memory_space<vmem>>) dst(%dma_wait3A_54 : memref<128x16xf32, #tpu.memory_space<vmem_shared>>)
      tpu.yield
    }) : () -> ()
    %mul3A_19 = arith.constant 640 : i32
    %mul3A_20 = arith.muli %arg1, %mul3A_19 : i32
    %add3A_21 = arith.constant 512 : i32
    %add3A_22 = arith.addi %mul3A_20, %add3A_21 : i32
    "tpu.region"() ({
      %run_scoped3A = tpu.sem_alloc : memref<!tpu.dma_semaphore, #tpu.memory_space<semaphore_mem>>
      %dma_start3A_48 = arith.constant 0 : i32
      %dma_start3A_49 = tpu.memref_slice %arg19[%add3A_22, %dma_start3A_48] : memref<10240x64xf32, #tpu.memory_space<vmem_shared>> -> memref<128x64xf32, #tpu.memory_space<vmem_shared>>
      %dma_start3A_50 = arith.constant 0 : i32
      %dma_start3A_51 = tpu.memref_slice %arg19[%add3A_22, %dma_start3A_50] : memref<10240x64xf32, #tpu.memory_space<vmem_shared>> -> memref<128x64xf32, #tpu.memory_space<vmem_shared>>
      tpu.enqueue_dma source(%arg16 : memref<128x64xf32, #tpu.memory_space<vmem>>) target(%dma_start3A_51 : memref<128x64xf32, #tpu.memory_space<vmem_shared>>) target_semaphore(%run_scoped3A : memref<!tpu.dma_semaphore, #tpu.memory_space<semaphore_mem>>)
      %dma_wait3A = arith.constant 0 : i32
      %dma_wait3A_52 = tpu.memref_slice %arg19[%add3A_22, %dma_wait3A] : memref<10240x64xf32, #tpu.memory_space<vmem_shared>> -> memref<128x64xf32, #tpu.memory_space<vmem_shared>>
      %dma_wait3A_53 = arith.constant 0 : i32
      %dma_wait3A_54 = tpu.memref_slice %arg19[%add3A_22, %dma_wait3A_53] : memref<10240x64xf32, #tpu.memory_space<vmem_shared>> -> memref<128x64xf32, #tpu.memory_space<vmem_shared>>
      tpu.wait_dma2 semaphore(%run_scoped3A : memref<!tpu.dma_semaphore, #tpu.memory_space<semaphore_mem>>) src(%arg16 : memref<128x64xf32, #tpu.memory_space<vmem>>) dst(%dma_wait3A_54 : memref<128x64xf32, #tpu.memory_space<vmem_shared>>)
      tpu.yield
    }) : () -> ()
    "tpu.region"() ({
      %run_scoped3A = tpu.sem_alloc : memref<!tpu.dma_semaphore, #tpu.memory_space<semaphore_mem>>
      %dma_start3A_48 = arith.constant 0 : i32
      %dma_start3A_49 = tpu.memref_slice %arg20[%add3A_22, %dma_start3A_48] : memref<10240x16xf32, #tpu.memory_space<vmem_shared>> -> memref<128x16xf32, #tpu.memory_space<vmem_shared>>
      %dma_start3A_50 = arith.constant 0 : i32
      %dma_start3A_51 = tpu.memref_slice %arg20[%add3A_22, %dma_start3A_50] : memref<10240x16xf32, #tpu.memory_space<vmem_shared>> -> memref<128x16xf32, #tpu.memory_space<vmem_shared>>
      tpu.enqueue_dma source(%arg17 : memref<128x16xf32, #tpu.memory_space<vmem>>) target(%dma_start3A_51 : memref<128x16xf32, #tpu.memory_space<vmem_shared>>) target_semaphore(%run_scoped3A : memref<!tpu.dma_semaphore, #tpu.memory_space<semaphore_mem>>)
      %dma_wait3A = arith.constant 0 : i32
      %dma_wait3A_52 = tpu.memref_slice %arg20[%add3A_22, %dma_wait3A] : memref<10240x16xf32, #tpu.memory_space<vmem_shared>> -> memref<128x16xf32, #tpu.memory_space<vmem_shared>>
      %dma_wait3A_53 = arith.constant 0 : i32
      %dma_wait3A_54 = tpu.memref_slice %arg20[%add3A_22, %dma_wait3A_53] : memref<10240x16xf32, #tpu.memory_space<vmem_shared>> -> memref<128x16xf32, #tpu.memory_space<vmem_shared>>
      tpu.wait_dma2 semaphore(%run_scoped3A : memref<!tpu.dma_semaphore, #tpu.memory_space<semaphore_mem>>) src(%arg17 : memref<128x16xf32, #tpu.memory_space<vmem>>) dst(%dma_wait3A_54 : memref<128x16xf32, #tpu.memory_space<vmem_shared>>)
      tpu.yield
    }) : () -> ()
    %barrier3A = arith.constant 0 : index
    tpu.barrier barrier_id(%barrier3A)
    "tpu.region"() ({
      %run_scoped3A = tpu.sem_alloc : memref<!tpu.dma_semaphore, #tpu.memory_space<semaphore_mem>>
      %dma_start3A_48 = arith.constant 0 : i32
      %dma_start3A_49 = arith.constant 0 : i32
      %dma_start3A_50 = tpu.memref_slice %arg3[%arg0, %arg1, %dma_start3A_48, %dma_start3A_49] : memref<2x16x200x100xi32, #tpu.memory_space<hbm>> -> memref<1x1x200x100xi32, #tpu.memory_space<hbm>>
      %dma_start3A_51 = tpu.memref_squeeze %dma_start3A_50 : memref<1x1x200x100xi32, #tpu.memory_space<hbm>> -> memref<200x100xi32, #tpu.memory_space<hbm>>
      %dma_start3A_52 = arith.constant 0 : i32
      %dma_start3A_53 = arith.constant 0 : i32
      %dma_start3A_54 = tpu.memref_slice %arg3[%arg0, %arg1, %dma_start3A_52, %dma_start3A_53] : memref<2x16x200x100xi32, #tpu.memory_space<hbm>> -> memref<1x1x200x100xi32, #tpu.memory_space<hbm>>
      %dma_start3A_55 = tpu.memref_squeeze %dma_start3A_54 : memref<1x1x200x100xi32, #tpu.memory_space<hbm>> -> memref<200x100xi32, #tpu.memory_space<hbm>>
      tpu.enqueue_dma source(%dma_start3A_55 : memref<200x100xi32, #tpu.memory_space<hbm>>) target(%arg10 : memref<200x100xi32, #tpu.memory_space<vmem>>) target_semaphore(%run_scoped3A : memref<!tpu.dma_semaphore, #tpu.memory_space<semaphore_mem>>)
      %dma_wait3A = arith.constant 0 : i32
      %dma_wait3A_56 = arith.constant 0 : i32
      %dma_wait3A_57 = tpu.memref_slice %arg3[%arg0, %arg1, %dma_wait3A, %dma_wait3A_56] : memref<2x16x200x100xi32, #tpu.memory_space<hbm>> -> memref<1x1x200x100xi32, #tpu.memory_space<hbm>>
      %dma_wait3A_58 = tpu.memref_squeeze %dma_wait3A_57 : memref<1x1x200x100xi32, #tpu.memory_space<hbm>> -> memref<200x100xi32, #tpu.memory_space<hbm>>
      %dma_wait3A_59 = arith.constant 0 : i32
      %dma_wait3A_60 = arith.constant 0 : i32
      %dma_wait3A_61 = tpu.memref_slice %arg3[%arg0, %arg1, %dma_wait3A_59, %dma_wait3A_60] : memref<2x16x200x100xi32, #tpu.memory_space<hbm>> -> memref<1x1x200x100xi32, #tpu.memory_space<hbm>>
      %dma_wait3A_62 = tpu.memref_squeeze %dma_wait3A_61 : memref<1x1x200x100xi32, #tpu.memory_space<hbm>> -> memref<200x100xi32, #tpu.memory_space<hbm>>
      tpu.wait_dma2 semaphore(%run_scoped3A : memref<!tpu.dma_semaphore, #tpu.memory_space<semaphore_mem>>) src(%dma_wait3A_62 : memref<200x100xi32, #tpu.memory_space<hbm>>) dst(%arg10 : memref<200x100xi32, #tpu.memory_space<vmem>>)
      tpu.yield
    }) : () -> ()
    "tpu.region"() ({
      %run_scoped3A = tpu.sem_alloc : memref<!tpu.dma_semaphore, #tpu.memory_space<semaphore_mem>>
      %dma_start3A_48 = arith.constant 0 : i32
      %dma_start3A_49 = arith.constant 0 : i32
      %dma_start3A_50 = tpu.memref_slice %arg4[%arg1, %dma_start3A_48, %dma_start3A_49] : memref<16x200x100xi32, #tpu.memory_space<hbm>> -> memref<1x200x100xi32, #tpu.memory_space<hbm>>
      %dma_start3A_51 = tpu.memref_squeeze %dma_start3A_50 : memref<1x200x100xi32, #tpu.memory_space<hbm>> -> memref<200x100xi32, #tpu.memory_space<hbm>>
      %dma_start3A_52 = arith.constant 0 : i32
      %dma_start3A_53 = arith.constant 0 : i32
      %dma_start3A_54 = tpu.memref_slice %arg4[%arg1, %dma_start3A_52, %dma_start3A_53] : memref<16x200x100xi32, #tpu.memory_space<hbm>> -> memref<1x200x100xi32, #tpu.memory_space<hbm>>
      %dma_start3A_55 = tpu.memref_squeeze %dma_start3A_54 : memref<1x200x100xi32, #tpu.memory_space<hbm>> -> memref<200x100xi32, #tpu.memory_space<hbm>>
      tpu.enqueue_dma source(%dma_start3A_55 : memref<200x100xi32, #tpu.memory_space<hbm>>) target(%arg11 : memref<200x100xi32, #tpu.memory_space<vmem>>) target_semaphore(%run_scoped3A : memref<!tpu.dma_semaphore, #tpu.memory_space<semaphore_mem>>)
      %dma_wait3A = arith.constant 0 : i32
      %dma_wait3A_56 = arith.constant 0 : i32
      %dma_wait3A_57 = tpu.memref_slice %arg4[%arg1, %dma_wait3A, %dma_wait3A_56] : memref<16x200x100xi32, #tpu.memory_space<hbm>> -> memref<1x200x100xi32, #tpu.memory_space<hbm>>
      %dma_wait3A_58 = tpu.memref_squeeze %dma_wait3A_57 : memref<1x200x100xi32, #tpu.memory_space<hbm>> -> memref<200x100xi32, #tpu.memory_space<hbm>>
      %dma_wait3A_59 = arith.constant 0 : i32
      %dma_wait3A_60 = arith.constant 0 : i32
      %dma_wait3A_61 = tpu.memref_slice %arg4[%arg1, %dma_wait3A_59, %dma_wait3A_60] : memref<16x200x100xi32, #tpu.memory_space<hbm>> -> memref<1x200x100xi32, #tpu.memory_space<hbm>>
      %dma_wait3A_62 = tpu.memref_squeeze %dma_wait3A_61 : memref<1x200x100xi32, #tpu.memory_space<hbm>> -> memref<200x100xi32, #tpu.memory_space<hbm>>
      tpu.wait_dma2 semaphore(%run_scoped3A : memref<!tpu.dma_semaphore, #tpu.memory_space<semaphore_mem>>) src(%dma_wait3A_62 : memref<200x100xi32, #tpu.memory_space<hbm>>) dst(%arg11 : memref<200x100xi32, #tpu.memory_space<vmem>>)
      tpu.yield
    }) : () -> ()
    "tpu.region"() ({
      %run_scoped3A = tpu.sem_alloc : memref<!tpu.dma_semaphore, #tpu.memory_space<semaphore_mem>>
      tpu.enqueue_dma source(%arg6 : memref<100x16xf32, #tpu.memory_space<hbm>>) target(%arg14 : memref<100x16xf32, #tpu.memory_space<vmem>>) target_semaphore(%run_scoped3A : memref<!tpu.dma_semaphore, #tpu.memory_space<semaphore_mem>>)
      tpu.wait_dma2 semaphore(%run_scoped3A : memref<!tpu.dma_semaphore, #tpu.memory_space<semaphore_mem>>) src(%arg6 : memref<100x16xf32, #tpu.memory_space<hbm>>) dst(%arg14 : memref<100x16xf32, #tpu.memory_space<vmem>>)
      tpu.yield
    }) : () -> ()
    %dma_start3A = arith.constant 0 : i32
    %dma_start3A_23 = arith.constant 0 : i32
    %dma_start3A_24 = tpu.memref_slice %arg10[%dma_start3A, %dma_start3A_23] : memref<200x100xi32, #tpu.memory_space<vmem>> -> memref<1x100xi32, #tpu.memory_space<vmem>>
    %dma_start3A_25 = tpu.memref_squeeze %dma_start3A_24 : memref<1x100xi32, #tpu.memory_space<vmem>> -> memref<100xi32, #tpu.memory_space<vmem>>
    %dma_start3A_26 = arith.constant 0 : i32
    %dma_start3A_27 = arith.constant 0 : i32
    %dma_start3A_28 = tpu.memref_slice %arg2[%dma_start3A_26, %dma_start3A_27] : memref<20000x64xf32, #tpu.memory_space<hbm>> -> memref<20000x64xf32, #tpu.memory_space<hbm>>
    tpu.enqueue_indirect_dma source(%dma_start3A_28 : memref<20000x64xf32, #tpu.memory_space<hbm>>) target(%arg12 : memref<100x64xf32, #tpu.memory_space<vmem>>) offsets(%dma_start3A_25 : memref<100xi32, #tpu.memory_space<vmem>>) semaphore(%arg21 : memref<!tpu.dma_semaphore, #tpu.memory_space<semaphore_mem>>)
    %dma_start3A_29 = arith.constant 1 : i32
    %dma_start3A_30 = arith.constant 0 : i32
    %dma_start3A_31 = tpu.memref_slice %arg10[%dma_start3A_29, %dma_start3A_30] : memref<200x100xi32, #tpu.memory_space<vmem>> -> memref<1x100xi32, #tpu.memory_space<vmem>>
    %dma_start3A_32 = tpu.memref_squeeze %dma_start3A_31 : memref<1x100xi32, #tpu.memory_space<vmem>> -> memref<100xi32, #tpu.memory_space<vmem>>
    %dma_start3A_33 = arith.constant 0 : i32
    %dma_start3A_34 = arith.constant 0 : i32
    %dma_start3A_35 = tpu.memref_slice %arg2[%dma_start3A_33, %dma_start3A_34] : memref<20000x64xf32, #tpu.memory_space<hbm>> -> memref<20000x64xf32, #tpu.memory_space<hbm>>
    tpu.enqueue_indirect_dma source(%dma_start3A_35 : memref<20000x64xf32, #tpu.memory_space<hbm>>) target(%arg13 : memref<100x64xf32, #tpu.memory_space<vmem>>) offsets(%dma_start3A_32 : memref<100xi32, #tpu.memory_space<vmem>>) semaphore(%arg22 : memref<!tpu.dma_semaphore, #tpu.memory_space<semaphore_mem>>)
    %scan3A_36 = arith.constant 0 : i32
    %scan3A_37 = arith.constant 0 : i32
    %scan3A_38 = arith.constant 100 : i32
    %scan3A_39 = arith.addi %scan3A_37, %scan3A_38 : i32
    %scan3A_40 = arith.constant 1 : i32
    scf.for %scan3A_48 = %scan3A_37 to %scan3A_39 step %scan3A_40  : i32 {
      %mul3A_49 = arith.constant 2 : i32
      %mul3A_50 = arith.muli %scan3A_48, %mul3A_49 : i32
      %lt3A_51 = arith.constant 100 : i32
      %lt3A_52 = arith.cmpi slt, %mul3A_50, %lt3A_51 : i32
      %eq3A_53 = arith.constant 0 : i32
      %eq3A_54 = arith.cmpi eq, %arg0, %eq3A_53 : i32
      %eq3A_55 = arith.xori %lt3A_52, %eq3A_54 : i1
      %eq3A_56 = arith.constant true
      %eq3A_57 = arith.xori %eq3A_55, %eq3A_56 : i1
      %dma_wait3A = arith.constant 0 : i32
      %dma_wait3A_58 = tpu.memref_slice %arg10[%mul3A_50, %dma_wait3A] : memref<200x100xi32, #tpu.memory_space<vmem>> -> memref<1x100xi32, #tpu.memory_space<vmem>>
      %dma_wait3A_59 = tpu.memref_squeeze %dma_wait3A_58 : memref<1x100xi32, #tpu.memory_space<vmem>> -> memref<100xi32, #tpu.memory_space<vmem>>
      %dma_wait3A_60 = arith.constant 0 : i32
      %dma_wait3A_61 = arith.constant 0 : i32
      %dma_wait3A_62 = tpu.memref_slice %arg2[%dma_wait3A_60, %dma_wait3A_61] : memref<20000x64xf32, #tpu.memory_space<hbm>> -> memref<20000x64xf32, #tpu.memory_space<hbm>>
      tpu.wait_indirect_dma semaphore(%arg21 : memref<!tpu.dma_semaphore, #tpu.memory_space<semaphore_mem>>) src(%dma_wait3A_62 : memref<20000x64xf32, #tpu.memory_space<hbm>>) dst(%arg12 : memref<100x64xf32, #tpu.memory_space<vmem>>)
      "tpu.region"() ({
        %run_scoped3A = tpu.sem_alloc : memref<!tpu.dma_semaphore, #tpu.memory_space<semaphore_mem>>
        %dma_start3A_93 = arith.constant 0 : i32
        %dma_start3A_94 = tpu.memref_slice %arg11[%mul3A_50, %dma_start3A_93] : memref<200x100xi32, #tpu.memory_space<vmem>> -> memref<1x100xi32, #tpu.memory_space<vmem>>
        %dma_start3A_95 = tpu.memref_squeeze %dma_start3A_94 : memref<1x100xi32, #tpu.memory_space<vmem>> -> memref<100xi32, #tpu.memory_space<vmem>>
        %dma_start3A_96 = arith.constant 0 : i32
        %dma_start3A_97 = arith.constant 0 : i32
        %dma_start3A_98 = tpu.memref_slice %arg19[%dma_start3A_96, %dma_start3A_97] : memref<10240x64xf32, #tpu.memory_space<vmem_shared>> -> memref<10240x64xf32, #tpu.memory_space<vmem_shared>>
        tpu.enqueue_indirect_dma source(%arg12 : memref<100x64xf32, #tpu.memory_space<vmem>>) target(%dma_start3A_98 : memref<10240x64xf32, #tpu.memory_space<vmem_shared>>) offsets(%dma_start3A_95 : memref<100xi32, #tpu.memory_space<vmem>>) semaphore(%run_scoped3A : memref<!tpu.dma_semaphore, #tpu.memory_space<semaphore_mem>>) {add = true}
        %dma_wait3A_99 = arith.constant 0 : i32
        %dma_wait3A_100 = tpu.memref_slice %arg11[%mul3A_50, %dma_wait3A_99] : memref<200x100xi32, #tpu.memory_space<vmem>> -> memref<1x100xi32, #tpu.memory_space<vmem>>
        %dma_wait3A_101 = tpu.memref_squeeze %dma_wait3A_100 : memref<1x100xi32, #tpu.memory_space<vmem>> -> memref<100xi32, #tpu.memory_space<vmem>>
        %dma_wait3A_102 = arith.constant 0 : i32
        %dma_wait3A_103 = arith.constant 0 : i32
        %dma_wait3A_104 = tpu.memref_slice %arg19[%dma_wait3A_102, %dma_wait3A_103] : memref<10240x64xf32, #tpu.memory_space<vmem_shared>> -> memref<10240x64xf32, #tpu.memory_space<vmem_shared>>
        tpu.wait_indirect_dma semaphore(%run_scoped3A : memref<!tpu.dma_semaphore, #tpu.memory_space<semaphore_mem>>) src(%arg12 : memref<100x64xf32, #tpu.memory_space<vmem>>) dst(%dma_wait3A_104 : memref<10240x64xf32, #tpu.memory_space<vmem_shared>>)
        tpu.yield
      }) : () -> ()
      %convert_element_type3A_63 = arith.extui %eq3A_57 : i1 to i32
      %cond3A_64 = arith.constant 0 : i32
      %cond3A_65 = arith.cmpi ne, %convert_element_type3A_63, %cond3A_64 : i32
      scf.if %cond3A_65 {
        "tpu.region"() ({
          %run_scoped3A = tpu.sem_alloc : memref<!tpu.dma_semaphore, #tpu.memory_space<semaphore_mem>>
          %dma_start3A_93 = arith.constant 0 : i32
          %dma_start3A_94 = tpu.memref_slice %arg11[%mul3A_50, %dma_start3A_93] : memref<200x100xi32, #tpu.memory_space<vmem>> -> memref<1x100xi32, #tpu.memory_space<vmem>>
          %dma_start3A_95 = tpu.memref_squeeze %dma_start3A_94 : memref<1x100xi32, #tpu.memory_space<vmem>> -> memref<100xi32, #tpu.memory_space<vmem>>
          %dma_start3A_96 = arith.constant 0 : i32
          %dma_start3A_97 = arith.constant 0 : i32
          %dma_start3A_98 = tpu.memref_slice %arg20[%dma_start3A_96, %dma_start3A_97] : memref<10240x16xf32, #tpu.memory_space<vmem_shared>> -> memref<10240x16xf32, #tpu.memory_space<vmem_shared>>
          tpu.enqueue_indirect_dma source(%arg14 : memref<100x16xf32, #tpu.memory_space<vmem>>) target(%dma_start3A_98 : memref<10240x16xf32, #tpu.memory_space<vmem_shared>>) offsets(%dma_start3A_95 : memref<100xi32, #tpu.memory_space<vmem>>) semaphore(%run_scoped3A : memref<!tpu.dma_semaphore, #tpu.memory_space<semaphore_mem>>) {add = true}
          %dma_wait3A_99 = arith.constant 0 : i32
          %dma_wait3A_100 = tpu.memref_slice %arg11[%mul3A_50, %dma_wait3A_99] : memref<200x100xi32, #tpu.memory_space<vmem>> -> memref<1x100xi32, #tpu.memory_space<vmem>>
          %dma_wait3A_101 = tpu.memref_squeeze %dma_wait3A_100 : memref<1x100xi32, #tpu.memory_space<vmem>> -> memref<100xi32, #tpu.memory_space<vmem>>
          %dma_wait3A_102 = arith.constant 0 : i32
          %dma_wait3A_103 = arith.constant 0 : i32
          %dma_wait3A_104 = tpu.memref_slice %arg20[%dma_wait3A_102, %dma_wait3A_103] : memref<10240x16xf32, #tpu.memory_space<vmem_shared>> -> memref<10240x16xf32, #tpu.memory_space<vmem_shared>>
          tpu.wait_indirect_dma semaphore(%run_scoped3A : memref<!tpu.dma_semaphore, #tpu.memory_space<semaphore_mem>>) src(%arg14 : memref<100x16xf32, #tpu.memory_space<vmem>>) dst(%dma_wait3A_104 : memref<10240x16xf32, #tpu.memory_space<vmem_shared>>)
          tpu.yield
        }) : () -> ()
      } else {
      }
      %add3A_66 = arith.constant 2 : i32
      %add3A_67 = arith.addi %mul3A_50, %add3A_66 : i32
      %lt3A_68 = arith.constant 200 : i32
      %lt3A_69 = arith.cmpi slt, %add3A_67, %lt3A_68 : i32
      %convert_element_type3A_70 = arith.extui %lt3A_69 : i1 to i32
      %cond3A_71 = arith.constant 0 : i32
      %cond3A_72 = arith.cmpi ne, %convert_element_type3A_70, %cond3A_71 : i32
      scf.if %cond3A_72 {
        %add3A_93 = arith.constant 2 : i32
        %add3A_94 = arith.addi %mul3A_50, %add3A_93 : i32
        %dma_start3A_95 = arith.constant 0 : i32
        %dma_start3A_96 = tpu.memref_slice %arg10[%add3A_94, %dma_start3A_95] : memref<200x100xi32, #tpu.memory_space<vmem>> -> memref<1x100xi32, #tpu.memory_space<vmem>>
        %dma_start3A_97 = tpu.memref_squeeze %dma_start3A_96 : memref<1x100xi32, #tpu.memory_space<vmem>> -> memref<100xi32, #tpu.memory_space<vmem>>
        %dma_start3A_98 = arith.constant 0 : i32
        %dma_start3A_99 = arith.constant 0 : i32
        %dma_start3A_100 = tpu.memref_slice %arg2[%dma_start3A_98, %dma_start3A_99] : memref<20000x64xf32, #tpu.memory_space<hbm>> -> memref<20000x64xf32, #tpu.memory_space<hbm>>
        tpu.enqueue_indirect_dma source(%dma_start3A_100 : memref<20000x64xf32, #tpu.memory_space<hbm>>) target(%arg12 : memref<100x64xf32, #tpu.memory_space<vmem>>) offsets(%dma_start3A_97 : memref<100xi32, #tpu.memory_space<vmem>>) semaphore(%arg21 : memref<!tpu.dma_semaphore, #tpu.memory_space<semaphore_mem>>)
      } else {
      }
      %add3A_73 = arith.constant 1 : i32
      %add3A_74 = arith.addi %mul3A_50, %add3A_73 : i32
      %dma_wait3A_75 = arith.constant 0 : i32
      %dma_wait3A_76 = tpu.memref_slice %arg10[%add3A_74, %dma_wait3A_75] : memref<200x100xi32, #tpu.memory_space<vmem>> -> memref<1x100xi32, #tpu.memory_space<vmem>>
      %dma_wait3A_77 = tpu.memref_squeeze %dma_wait3A_76 : memref<1x100xi32, #tpu.memory_space<vmem>> -> memref<100xi32, #tpu.memory_space<vmem>>
      %dma_wait3A_78 = arith.constant 0 : i32
      %dma_wait3A_79 = arith.constant 0 : i32
      %dma_wait3A_80 = tpu.memref_slice %arg2[%dma_wait3A_78, %dma_wait3A_79] : memref<20000x64xf32, #tpu.memory_space<hbm>> -> memref<20000x64xf32, #tpu.memory_space<hbm>>
      tpu.wait_indirect_dma semaphore(%arg22 : memref<!tpu.dma_semaphore, #tpu.memory_space<semaphore_mem>>) src(%dma_wait3A_80 : memref<20000x64xf32, #tpu.memory_space<hbm>>) dst(%arg13 : memref<100x64xf32, #tpu.memory_space<vmem>>)
      %add3A_81 = arith.constant 1 : i32
      %add3A_82 = arith.addi %mul3A_50, %add3A_81 : i32
      "tpu.region"() ({
        %run_scoped3A = tpu.sem_alloc : memref<!tpu.dma_semaphore, #tpu.memory_space<semaphore_mem>>
        %dma_start3A_93 = arith.constant 0 : i32
        %dma_start3A_94 = tpu.memref_slice %arg11[%add3A_82, %dma_start3A_93] : memref<200x100xi32, #tpu.memory_space<vmem>> -> memref<1x100xi32, #tpu.memory_space<vmem>>
        %dma_start3A_95 = tpu.memref_squeeze %dma_start3A_94 : memref<1x100xi32, #tpu.memory_space<vmem>> -> memref<100xi32, #tpu.memory_space<vmem>>
        %dma_start3A_96 = arith.constant 0 : i32
        %dma_start3A_97 = arith.constant 0 : i32
        %dma_start3A_98 = tpu.memref_slice %arg19[%dma_start3A_96, %dma_start3A_97] : memref<10240x64xf32, #tpu.memory_space<vmem_shared>> -> memref<10240x64xf32, #tpu.memory_space<vmem_shared>>
        tpu.enqueue_indirect_dma source(%arg13 : memref<100x64xf32, #tpu.memory_space<vmem>>) target(%dma_start3A_98 : memref<10240x64xf32, #tpu.memory_space<vmem_shared>>) offsets(%dma_start3A_95 : memref<100xi32, #tpu.memory_space<vmem>>) semaphore(%run_scoped3A : memref<!tpu.dma_semaphore, #tpu.memory_space<semaphore_mem>>) {add = true}
        %dma_wait3A_99 = arith.constant 0 : i32
        %dma_wait3A_100 = tpu.memref_slice %arg11[%add3A_82, %dma_wait3A_99] : memref<200x100xi32, #tpu.memory_space<vmem>> -> memref<1x100xi32, #tpu.memory_space<vmem>>
        %dma_wait3A_101 = tpu.memref_squeeze %dma_wait3A_100 : memref<1x100xi32, #tpu.memory_space<vmem>> -> memref<100xi32, #tpu.memory_space<vmem>>
        %dma_wait3A_102 = arith.constant 0 : i32
        %dma_wait3A_103 = arith.constant 0 : i32
        %dma_wait3A_104 = tpu.memref_slice %arg19[%dma_wait3A_102, %dma_wait3A_103] : memref<10240x64xf32, #tpu.memory_space<vmem_shared>> -> memref<10240x64xf32, #tpu.memory_space<vmem_shared>>
        tpu.wait_indirect_dma semaphore(%run_scoped3A : memref<!tpu.dma_semaphore, #tpu.memory_space<semaphore_mem>>) src(%arg13 : memref<100x64xf32, #tpu.memory_space<vmem>>) dst(%dma_wait3A_104 : memref<10240x64xf32, #tpu.memory_space<vmem_shared>>)
        tpu.yield
      }) : () -> ()
      %convert_element_type3A_83 = arith.extui %eq3A_57 : i1 to i32
      %cond3A_84 = arith.constant 0 : i32
      %cond3A_85 = arith.cmpi ne, %convert_element_type3A_83, %cond3A_84 : i32
      scf.if %cond3A_85 {
        %add3A_93 = arith.constant 1 : i32
        %add3A_94 = arith.addi %mul3A_50, %add3A_93 : i32
        "tpu.region"() ({
          %run_scoped3A = tpu.sem_alloc : memref<!tpu.dma_semaphore, #tpu.memory_space<semaphore_mem>>
          %dma_start3A_95 = arith.constant 0 : i32
          %dma_start3A_96 = tpu.memref_slice %arg11[%add3A_94, %dma_start3A_95] : memref<200x100xi32, #tpu.memory_space<vmem>> -> memref<1x100xi32, #tpu.memory_space<vmem>>
          %dma_start3A_97 = tpu.memref_squeeze %dma_start3A_96 : memref<1x100xi32, #tpu.memory_space<vmem>> -> memref<100xi32, #tpu.memory_space<vmem>>
          %dma_start3A_98 = arith.constant 0 : i32
          %dma_start3A_99 = arith.constant 0 : i32
          %dma_start3A_100 = tpu.memref_slice %arg20[%dma_start3A_98, %dma_start3A_99] : memref<10240x16xf32, #tpu.memory_space<vmem_shared>> -> memref<10240x16xf32, #tpu.memory_space<vmem_shared>>
          tpu.enqueue_indirect_dma source(%arg14 : memref<100x16xf32, #tpu.memory_space<vmem>>) target(%dma_start3A_100 : memref<10240x16xf32, #tpu.memory_space<vmem_shared>>) offsets(%dma_start3A_97 : memref<100xi32, #tpu.memory_space<vmem>>) semaphore(%run_scoped3A : memref<!tpu.dma_semaphore, #tpu.memory_space<semaphore_mem>>) {add = true}
          %dma_wait3A_101 = arith.constant 0 : i32
          %dma_wait3A_102 = tpu.memref_slice %arg11[%add3A_94, %dma_wait3A_101] : memref<200x100xi32, #tpu.memory_space<vmem>> -> memref<1x100xi32, #tpu.memory_space<vmem>>
          %dma_wait3A_103 = tpu.memref_squeeze %dma_wait3A_102 : memref<1x100xi32, #tpu.memory_space<vmem>> -> memref<100xi32, #tpu.memory_space<vmem>>
          %dma_wait3A_104 = arith.constant 0 : i32
          %dma_wait3A_105 = arith.constant 0 : i32
          %dma_wait3A_106 = tpu.memref_slice %arg20[%dma_wait3A_104, %dma_wait3A_105] : memref<10240x16xf32, #tpu.memory_space<vmem_shared>> -> memref<10240x16xf32, #tpu.memory_space<vmem_shared>>
          tpu.wait_indirect_dma semaphore(%run_scoped3A : memref<!tpu.dma_semaphore, #tpu.memory_space<semaphore_mem>>) src(%arg14 : memref<100x16xf32, #tpu.memory_space<vmem>>) dst(%dma_wait3A_106 : memref<10240x16xf32, #tpu.memory_space<vmem_shared>>)
          tpu.yield
        }) : () -> ()
      } else {
      }
      %add3A_86 = arith.constant 3 : i32
      %add3A_87 = arith.addi %mul3A_50, %add3A_86 : i32
      %lt3A_88 = arith.constant 200 : i32
      %lt3A_89 = arith.cmpi slt, %add3A_87, %lt3A_88 : i32
      %convert_element_type3A_90 = arith.extui %lt3A_89 : i1 to i32
      %cond3A_91 = arith.constant 0 : i32
      %cond3A_92 = arith.cmpi ne, %convert_element_type3A_90, %cond3A_91 : i32
      scf.if %cond3A_92 {
        %add3A_93 = arith.constant 3 : i32
        %add3A_94 = arith.addi %mul3A_50, %add3A_93 : i32
        %dma_start3A_95 = arith.constant 0 : i32
        %dma_start3A_96 = tpu.memref_slice %arg10[%add3A_94, %dma_start3A_95] : memref<200x100xi32, #tpu.memory_space<vmem>> -> memref<1x100xi32, #tpu.memory_space<vmem>>
        %dma_start3A_97 = tpu.memref_squeeze %dma_start3A_96 : memref<1x100xi32, #tpu.memory_space<vmem>> -> memref<100xi32, #tpu.memory_space<vmem>>
        %dma_start3A_98 = arith.constant 0 : i32
        %dma_start3A_99 = arith.constant 0 : i32
        %dma_start3A_100 = tpu.memref_slice %arg2[%dma_start3A_98, %dma_start3A_99] : memref<20000x64xf32, #tpu.memory_space<hbm>> -> memref<20000x64xf32, #tpu.memory_space<hbm>>
        tpu.enqueue_indirect_dma source(%dma_start3A_100 : memref<20000x64xf32, #tpu.memory_space<hbm>>) target(%arg13 : memref<100x64xf32, #tpu.memory_space<vmem>>) offsets(%dma_start3A_97 : memref<100xi32, #tpu.memory_space<vmem>>) semaphore(%arg22 : memref<!tpu.dma_semaphore, #tpu.memory_space<semaphore_mem>>)
      } else {
      }
    }
    %scan3A_41 = arith.constant 100 : i32
    %eq3A = arith.constant 0 : i32
    %eq3A_42 = arith.cmpi eq, %arg0, %eq3A : i32
    %lt3A = arith.constant 10 : i32
    %lt3A_43 = arith.cmpi slt, %arg1, %lt3A : i32
    %and3A = arith.andi %eq3A_42, %lt3A_43 : i1
    %convert_element_type3A = arith.extui %and3A : i1 to i32
    %cond3A = arith.constant 0 : i32
    %cond3A_44 = arith.cmpi ne, %convert_element_type3A, %cond3A : i32
    scf.if %cond3A_44 {
      "tpu.region"() ({
        %run_scoped3A = tpu.sem_alloc : memref<!tpu.dma_semaphore, #tpu.memory_space<semaphore_mem>>
        tpu.enqueue_dma source(%arg5 : memref<20x100xi32, #tpu.memory_space<hbm>>) target(%arg18 : memref<20x100xi32, #tpu.memory_space<vmem>>) target_semaphore(%run_scoped3A : memref<!tpu.dma_semaphore, #tpu.memory_space<semaphore_mem>>)
        tpu.wait_dma2 semaphore(%run_scoped3A : memref<!tpu.dma_semaphore, #tpu.memory_space<semaphore_mem>>) src(%arg5 : memref<20x100xi32, #tpu.memory_space<hbm>>) dst(%arg18 : memref<20x100xi32, #tpu.memory_space<vmem>>)
        tpu.yield
      }) : () -> ()
      "tpu.region"() ({
        %run_scoped3A = tpu.sem_alloc : memref<!tpu.dma_semaphore, #tpu.memory_space<semaphore_mem>>
        tpu.enqueue_dma source(%arg7 : memref<100x16xf32, #tpu.memory_space<hbm>>) target(%arg15 : memref<100x16xf32, #tpu.memory_space<vmem>>) target_semaphore(%run_scoped3A : memref<!tpu.dma_semaphore, #tpu.memory_space<semaphore_mem>>)
        tpu.wait_dma2 semaphore(%run_scoped3A : memref<!tpu.dma_semaphore, #tpu.memory_space<semaphore_mem>>) src(%arg7 : memref<100x16xf32, #tpu.memory_space<hbm>>) dst(%arg15 : memref<100x16xf32, #tpu.memory_space<vmem>>)
        tpu.yield
      }) : () -> ()
      %mul3A_48 = arith.constant 2 : i32
      %mul3A_49 = arith.muli %arg1, %mul3A_48 : i32
      %mul3A_50 = arith.constant 2 : i32
      %mul3A_51 = arith.muli %arg1, %mul3A_50 : i32
      %add3A_52 = arith.constant 2 : i32
      %add3A_53 = arith.addi %mul3A_51, %add3A_52 : i32
      %while3A = arith.constant 0 : i32
      %while3A_54 = arith.subi %add3A_53, %mul3A_49 : i32
      %while3A_55 = arith.addi %mul3A_49, %while3A_54 : i32
      %while3A_56 = arith.constant 1 : i32
      %while3A_57 = arith.divsi %while3A_54, %while3A_56 : i32
      %while3A_58 = arith.muli %while3A_57, %while3A_56 : i32
      %while3A_59 = arith.addi %mul3A_49, %while3A_58 : i32
      %while3A_60 = arith.constant 1 : i32
      scf.for %while3A_62 = %mul3A_49 to %while3A_59 step %while3A_60  : i32 {
        "tpu.region"() ({
          %run_scoped3A = tpu.sem_alloc : memref<!tpu.dma_semaphore, #tpu.memory_space<semaphore_mem>>
          %dma_start3A_63 = arith.constant 0 : i32
          %dma_start3A_64 = tpu.memref_slice %arg18[%while3A_62, %dma_start3A_63] : memref<20x100xi32, #tpu.memory_space<vmem>> -> memref<1x100xi32, #tpu.memory_space<vmem>>
          %dma_start3A_65 = tpu.memref_squeeze %dma_start3A_64 : memref<1x100xi32, #tpu.memory_space<vmem>> -> memref<100xi32, #tpu.memory_space<vmem>>
          %dma_start3A_66 = arith.constant 0 : i32
          %dma_start3A_67 = arith.constant 0 : i32
          %dma_start3A_68 = tpu.memref_slice %arg20[%dma_start3A_66, %dma_start3A_67] : memref<10240x16xf32, #tpu.memory_space<vmem_shared>> -> memref<10240x16xf32, #tpu.memory_space<vmem_shared>>
          tpu.enqueue_indirect_dma source(%arg15 : memref<100x16xf32, #tpu.memory_space<vmem>>) target(%dma_start3A_68 : memref<10240x16xf32, #tpu.memory_space<vmem_shared>>) offsets(%dma_start3A_65 : memref<100xi32, #tpu.memory_space<vmem>>) semaphore(%run_scoped3A : memref<!tpu.dma_semaphore, #tpu.memory_space<semaphore_mem>>) {add = true}
          %dma_wait3A = arith.constant 0 : i32
          %dma_wait3A_69 = tpu.memref_slice %arg18[%while3A_62, %dma_wait3A] : memref<20x100xi32, #tpu.memory_space<vmem>> -> memref<1x100xi32, #tpu.memory_space<vmem>>
          %dma_wait3A_70 = tpu.memref_squeeze %dma_wait3A_69 : memref<1x100xi32, #tpu.memory_space<vmem>> -> memref<100xi32, #tpu.memory_space<vmem>>
          %dma_wait3A_71 = arith.constant 0 : i32
          %dma_wait3A_72 = arith.constant 0 : i32
          %dma_wait3A_73 = tpu.memref_slice %arg20[%dma_wait3A_71, %dma_wait3A_72] : memref<10240x16xf32, #tpu.memory_space<vmem_shared>> -> memref<10240x16xf32, #tpu.memory_space<vmem_shared>>
          tpu.wait_indirect_dma semaphore(%run_scoped3A : memref<!tpu.dma_semaphore, #tpu.memory_space<semaphore_mem>>) src(%arg15 : memref<100x16xf32, #tpu.memory_space<vmem>>) dst(%dma_wait3A_73 : memref<10240x16xf32, #tpu.memory_space<vmem_shared>>)
          tpu.yield
        }) : () -> ()
      }
      %while3A_61 = arith.constant 1 : i32
      scf.for %while3A_62 = %while3A_59 to %while3A_55 step %while3A_61  : i32 {
        "tpu.region"() ({
          %run_scoped3A = tpu.sem_alloc : memref<!tpu.dma_semaphore, #tpu.memory_space<semaphore_mem>>
          %dma_start3A_63 = arith.constant 0 : i32
          %dma_start3A_64 = tpu.memref_slice %arg18[%while3A_62, %dma_start3A_63] : memref<20x100xi32, #tpu.memory_space<vmem>> -> memref<1x100xi32, #tpu.memory_space<vmem>>
          %dma_start3A_65 = tpu.memref_squeeze %dma_start3A_64 : memref<1x100xi32, #tpu.memory_space<vmem>> -> memref<100xi32, #tpu.memory_space<vmem>>
          %dma_start3A_66 = arith.constant 0 : i32
          %dma_start3A_67 = arith.constant 0 : i32
          %dma_start3A_68 = tpu.memref_slice %arg20[%dma_start3A_66, %dma_start3A_67] : memref<10240x16xf32, #tpu.memory_space<vmem_shared>> -> memref<10240x16xf32, #tpu.memory_space<vmem_shared>>
          tpu.enqueue_indirect_dma source(%arg15 : memref<100x16xf32, #tpu.memory_space<vmem>>) target(%dma_start3A_68 : memref<10240x16xf32, #tpu.memory_space<vmem_shared>>) offsets(%dma_start3A_65 : memref<100xi32, #tpu.memory_space<vmem>>) semaphore(%run_scoped3A : memref<!tpu.dma_semaphore, #tpu.memory_space<semaphore_mem>>) {add = true}
          %dma_wait3A = arith.constant 0 : i32
          %dma_wait3A_69 = tpu.memref_slice %arg18[%while3A_62, %dma_wait3A] : memref<20x100xi32, #tpu.memory_space<vmem>> -> memref<1x100xi32, #tpu.memory_space<vmem>>
          %dma_wait3A_70 = tpu.memref_squeeze %dma_wait3A_69 : memref<1x100xi32, #tpu.memory_space<vmem>> -> memref<100xi32, #tpu.memory_space<vmem>>
          %dma_wait3A_71 = arith.constant 0 : i32
          %dma_wait3A_72 = arith.constant 0 : i32
          %dma_wait3A_73 = tpu.memref_slice %arg20[%dma_wait3A_71, %dma_wait3A_72] : memref<10240x16xf32, #tpu.memory_space<vmem_shared>> -> memref<10240x16xf32, #tpu.memory_space<vmem_shared>>
          tpu.wait_indirect_dma semaphore(%run_scoped3A : memref<!tpu.dma_semaphore, #tpu.memory_space<semaphore_mem>>) src(%arg15 : memref<100x16xf32, #tpu.memory_space<vmem>>) dst(%dma_wait3A_73 : memref<10240x16xf32, #tpu.memory_space<vmem_shared>>)
          tpu.yield
        }) : () -> ()
      }
    } else {
    }
    %barrier3A_45 = arith.constant 0 : index
    tpu.barrier barrier_id(%barrier3A_45)
    %mul3A_46 = arith.constant 640 : i32
    %mul3A_47 = arith.muli %arg1, %mul3A_46 : i32
    "tpu.region"() ({
      %run_scoped3A = tpu.sem_alloc : memref<!tpu.dma_semaphore, #tpu.memory_space<semaphore_mem>>
      %dma_start3A_48 = arith.constant 0 : i32
      %dma_start3A_49 = tpu.memref_slice %arg8[%arg0, %mul3A_47, %dma_start3A_48] : memref<2x10240x64xf32, #tpu.memory_space<hbm>> -> memref<1x640x64xf32, #tpu.memory_space<hbm>>
      %dma_start3A_50 = tpu.memref_squeeze %dma_start3A_49 : memref<1x640x64xf32, #tpu.memory_space<hbm>> -> memref<640x64xf32, #tpu.memory_space<hbm>>
      %dma_start3A_51 = arith.constant 0 : i32
      %dma_start3A_52 = tpu.memref_slice %arg19[%mul3A_47, %dma_start3A_51] : memref<10240x64xf32, #tpu.memory_space<vmem_shared>> -> memref<640x64xf32, #tpu.memory_space<vmem_shared>>
      tpu.enqueue_dma source(%dma_start3A_52 : memref<640x64xf32, #tpu.memory_space<vmem_shared>>) target(%dma_start3A_50 : memref<640x64xf32, #tpu.memory_space<hbm>>) target_semaphore(%run_scoped3A : memref<!tpu.dma_semaphore, #tpu.memory_space<semaphore_mem>>)
      %dma_wait3A = arith.constant 0 : i32
      %dma_wait3A_53 = tpu.memref_slice %arg8[%arg0, %mul3A_47, %dma_wait3A] : memref<2x10240x64xf32, #tpu.memory_space<hbm>> -> memref<1x640x64xf32, #tpu.memory_space<hbm>>
      %dma_wait3A_54 = tpu.memref_squeeze %dma_wait3A_53 : memref<1x640x64xf32, #tpu.memory_space<hbm>> -> memref<640x64xf32, #tpu.memory_space<hbm>>
      %dma_wait3A_55 = arith.constant 0 : i32
      %dma_wait3A_56 = tpu.memref_slice %arg19[%mul3A_47, %dma_wait3A_55] : memref<10240x64xf32, #tpu.memory_space<vmem_shared>> -> memref<640x64xf32, #tpu.memory_space<vmem_shared>>
      tpu.wait_dma2 semaphore(%run_scoped3A : memref<!tpu.dma_semaphore, #tpu.memory_space<semaphore_mem>>) src(%dma_wait3A_56 : memref<640x64xf32, #tpu.memory_space<vmem_shared>>) dst(%dma_wait3A_54 : memref<640x64xf32, #tpu.memory_space<hbm>>)
      tpu.yield
    }) : () -> ()
    "tpu.region"() ({
      %run_scoped3A = tpu.sem_alloc : memref<!tpu.dma_semaphore, #tpu.memory_space<semaphore_mem>>
      %dma_start3A_48 = arith.constant 0 : i32
      %dma_start3A_49 = tpu.memref_slice %arg9[%arg0, %mul3A_47, %dma_start3A_48] : memref<2x10240x16xf32, #tpu.memory_space<hbm>> -> memref<1x640x16xf32, #tpu.memory_space<hbm>>
      %dma_start3A_50 = tpu.memref_squeeze %dma_start3A_49 : memref<1x640x16xf32, #tpu.memory_space<hbm>> -> memref<640x16xf32, #tpu.memory_space<hbm>>
      %dma_start3A_51 = arith.constant 0 : i32
      %dma_start3A_52 = tpu.memref_slice %arg20[%mul3A_47, %dma_start3A_51] : memref<10240x16xf32, #tpu.memory_space<vmem_shared>> -> memref<640x16xf32, #tpu.memory_space<vmem_shared>>
      tpu.enqueue_dma source(%dma_start3A_52 : memref<640x16xf32, #tpu.memory_space<vmem_shared>>) target(%dma_start3A_50 : memref<640x16xf32, #tpu.memory_space<hbm>>) target_semaphore(%run_scoped3A : memref<!tpu.dma_semaphore, #tpu.memory_space<semaphore_mem>>)
      %dma_wait3A = arith.constant 0 : i32
      %dma_wait3A_53 = tpu.memref_slice %arg9[%arg0, %mul3A_47, %dma_wait3A] : memref<2x10240x16xf32, #tpu.memory_space<hbm>> -> memref<1x640x16xf32, #tpu.memory_space<hbm>>
      %dma_wait3A_54 = tpu.memref_squeeze %dma_wait3A_53 : memref<1x640x16xf32, #tpu.memory_space<hbm>> -> memref<640x16xf32, #tpu.memory_space<hbm>>
      %dma_wait3A_55 = arith.constant 0 : i32
      %dma_wait3A_56 = tpu.memref_slice %arg20[%mul3A_47, %dma_wait3A_55] : memref<10240x16xf32, #tpu.memory_space<vmem_shared>> -> memref<640x16xf32, #tpu.memory_space<vmem_shared>>
      tpu.wait_dma2 semaphore(%run_scoped3A : memref<!tpu.dma_semaphore, #tpu.memory_space<semaphore_mem>>) src(%dma_wait3A_56 : memref<640x16xf32, #tpu.memory_space<vmem_shared>>) dst(%dma_wait3A_54 : memref<640x16xf32, #tpu.memory_space<hbm>>)
      tpu.yield
    }) : () -> ()
    return
  }
}

module attributes {stable_mosaic.version = 14 : i64} {
  func.func @_tc_body(%arg0: i32, %arg1: memref<1000x128xf32, #tpu.memory_space<vmem>>, %arg2: memref<2x1000x64xf32, #tpu.memory_space<vmem>>, %arg3: memref<2x1000x16xf32, #tpu.memory_space<vmem>>, %arg4: memref<256x128xf32, #tpu.memory_space<vmem>>, %arg5: memref<256x128xf32, #tpu.memory_space<vmem>>, %arg6: memref<1000x128xf32, #tpu.memory_space<vmem>>) attributes {dimension_semantics = [#tpu.dimension_semantics<arbitrary>], iteration_bounds = array<i64: 10>, scalar_prefetch = 0 : i64, scratch_operands = 0 : i64, tpu.core_type = #tpu.core_type<tc>, window_params = [{transform_indices = @transform_0, window_bounds = array<i64: 1000, 128>}, {transform_indices = @transform_1, window_bounds = array<i64: 2, 1000, 64>}, {transform_indices = @transform_2, window_bounds = array<i64: 2, 1000, 16>}, {pipeline_mode = #tpu.pipeline_mode<synchronous>, transform_indices = @transform_3, window_bounds = array<i64: 256, 128>}, {pipeline_mode = #tpu.pipeline_mode<synchronous>, transform_indices = @transform_4, window_bounds = array<i64: 256, 128>}, {transform_indices = @transform_5, window_bounds = array<i64: 1000, 128>}]} {
    %get3A = arith.constant 0 : index
    %get3A_0 = arith.constant 0 : index
    %get3A_1 = arith.constant 0 : index
    %get3A_2 = vector.load %arg3[%get3A, %get3A_0, %get3A_1] : memref<2x1000x16xf32, #tpu.memory_space<vmem>>, vector<1x1000x1xf32>
    %get3A_3 = vector.shape_cast %get3A_2 : vector<1x1000x1xf32> to vector<1000x1xf32>
    %get3A_4 = arith.constant 1 : index
    %get3A_5 = arith.constant 0 : index
    %get3A_6 = arith.constant 0 : index
    %get3A_7 = vector.load %arg3[%get3A_4, %get3A_5, %get3A_6] : memref<2x1000x16xf32, #tpu.memory_space<vmem>>, vector<1x1000x1xf32>
    %get3A_8 = vector.shape_cast %get3A_7 : vector<1x1000x1xf32> to vector<1000x1xf32>
    %add3A = arith.addf %get3A_3, %get3A_8 : vector<1000x1xf32>
    %get3A_9 = arith.constant 0 : index
    %get3A_10 = arith.constant 0 : index
    %get3A_11 = arith.constant 1 : index
    %get3A_12 = vector.load %arg3[%get3A_9, %get3A_10, %get3A_11] : memref<2x1000x16xf32, #tpu.memory_space<vmem>>, vector<1x1000x1xf32>
    %get3A_13 = vector.shape_cast %get3A_12 : vector<1x1000x1xf32> to vector<1000x1xf32>
    %get3A_14 = arith.constant 1 : index
    %get3A_15 = arith.constant 0 : index
    %get3A_16 = arith.constant 1 : index
    %get3A_17 = vector.load %arg3[%get3A_14, %get3A_15, %get3A_16] : memref<2x1000x16xf32, #tpu.memory_space<vmem>>, vector<1x1000x1xf32>
    %get3A_18 = vector.shape_cast %get3A_17 : vector<1x1000x1xf32> to vector<1000x1xf32>
    %add3A_19 = arith.addf %get3A_13, %get3A_18 : vector<1000x1xf32>
    %max3A = arith.constant 1.000000e+00 : f32
    %max3A_20 = vector.broadcast %max3A : f32 to vector<1000x1xf32>
    %max3A_21 = arith.maximumf %add3A, %max3A_20 : vector<1000x1xf32>
    %div3A = arith.constant 1.000000e+00 : f32
    %div3A_22 = vector.broadcast %div3A : f32 to vector<1000x1xf32>
    %div3A_23 = arith.divf %div3A_22, %max3A_21 : vector<1000x1xf32>
    %get3A_24 = arith.constant 0 : index
    %get3A_25 = arith.constant 0 : index
    %get3A_26 = vector.load %arg1[%get3A_24, %get3A_25] : memref<1000x128xf32, #tpu.memory_space<vmem>>, vector<1000x128xf32>
    %get3A_27 = arith.constant 0 : index
    %get3A_28 = arith.constant 0 : index
    %get3A_29 = arith.constant 0 : index
    %get3A_30 = vector.load %arg2[%get3A_27, %get3A_28, %get3A_29] : memref<2x1000x64xf32, #tpu.memory_space<vmem>>, vector<1x1000x64xf32>
    %get3A_31 = vector.shape_cast %get3A_30 : vector<1x1000x64xf32> to vector<1000x64xf32>
    %mul3A = vector.broadcast %div3A_23 : vector<1000x1xf32> to vector<1000x64xf32>
    %mul3A_32 = arith.mulf %get3A_31, %mul3A : vector<1000x64xf32>
    %get3A_33 = arith.constant 1 : index
    %get3A_34 = arith.constant 0 : index
    %get3A_35 = arith.constant 0 : index
    %get3A_36 = vector.load %arg2[%get3A_33, %get3A_34, %get3A_35] : memref<2x1000x64xf32, #tpu.memory_space<vmem>>, vector<1x1000x64xf32>
    %get3A_37 = vector.shape_cast %get3A_36 : vector<1x1000x64xf32> to vector<1000x64xf32>
    %mul3A_38 = vector.broadcast %div3A_23 : vector<1000x1xf32> to vector<1000x64xf32>
    %mul3A_39 = arith.mulf %get3A_37, %mul3A_38 : vector<1000x64xf32>
    %concatenate3A = tpu.concatenate %get3A_26, %mul3A_32, %mul3A_39 in 1 : vector<1000x128xf32>, vector<1000x64xf32>, vector<1000x64xf32> -> vector<1000x256xf32>
    %get3A_40 = arith.constant 0 : index
    %get3A_41 = arith.constant 0 : index
    %get3A_42 = vector.load %arg4[%get3A_40, %get3A_41] : memref<256x128xf32, #tpu.memory_space<vmem>>, vector<256x128xf32>
    %dot_general3A = arith.constant dense<0.000000e+00> : vector<1000x128xf32>
    %dot_general3A_43 = tpu.matmul %concatenate3A, %get3A_42, %dot_general3A {dimension_numbers = #tpu.dot_dimension_numbers<[1], [0], [0], [1], [0, 0, 1, 1], [], []>, precision = #tpu.contract_precision<fp32>, transpose_lhs_hint = false} : vector<1000x256xf32>, vector<256x128xf32>, vector<1000x128xf32> -> vector<1000x128xf32>
    %get3A_44 = arith.constant 0 : index
    %get3A_45 = arith.constant 0 : index
    %get3A_46 = vector.load %arg5[%get3A_44, %get3A_45] : memref<256x128xf32, #tpu.memory_space<vmem>>, vector<256x128xf32>
    %dot_general3A_47 = arith.constant dense<0.000000e+00> : vector<1000x128xf32>
    %dot_general3A_48 = tpu.matmul %concatenate3A, %get3A_46, %dot_general3A_47 {dimension_numbers = #tpu.dot_dimension_numbers<[1], [0], [0], [1], [0, 0, 1, 1], [], []>, precision = #tpu.contract_precision<fp32>, transpose_lhs_hint = false} : vector<1000x256xf32>, vector<256x128xf32>, vector<1000x128xf32> -> vector<1000x128xf32>
    %mul3A_49 = vector.broadcast %add3A_19 : vector<1000x1xf32> to vector<1000x128xf32>
    %mul3A_50 = arith.mulf %mul3A_49, %dot_general3A_48 : vector<1000x128xf32>
    %add3A_51 = arith.addf %dot_general3A_43, %mul3A_50 : vector<1000x128xf32>
    %swap3A = arith.constant 0 : index
    %swap3A_52 = arith.constant 0 : index
    %swap3A_53 = vector.load %arg6[%swap3A, %swap3A_52] : memref<1000x128xf32, #tpu.memory_space<vmem>>, vector<1000x128xf32>
    tpu.vector_store %arg6[%swap3A, %swap3A_52], %add3A_51 {strides = array<i32>} : memref<1000x128xf32, #tpu.memory_space<vmem>>, vector<1000x128xf32>,
    return
  }
  func.func @transform_0(%arg0: i32) -> (i32, i32) {
    %c0_i32 = arith.constant 0 : i32
    %c0_i32_0 = arith.constant 0 : i32
    return %arg0, %c0_i32 : i32, i32
  }
  func.func @transform_1(%arg0: i32) -> (i32, i32, i32) {
    %c0_i32 = arith.constant 0 : i32
    %c0_i32_0 = arith.constant 0 : i32
    %c0_i32_1 = arith.constant 0 : i32
    return %c0_i32, %arg0, %c0_i32_0 : i32, i32, i32
  }
  func.func @transform_2(%arg0: i32) -> (i32, i32, i32) {
    %c0_i32 = arith.constant 0 : i32
    %c0_i32_0 = arith.constant 0 : i32
    %c0_i32_1 = arith.constant 0 : i32
    return %c0_i32, %arg0, %c0_i32_0 : i32, i32, i32
  }
  func.func @transform_3(%arg0: i32) -> (i32, i32) {
    %c0_i32 = arith.constant 0 : i32
    %c0_i32_0 = arith.constant 0 : i32
    %c0_i32_1 = arith.constant 0 : i32
    return %c0_i32, %c0_i32_0 : i32, i32
  }
  func.func @transform_4(%arg0: i32) -> (i32, i32) {
    %c0_i32 = arith.constant 0 : i32
    %c0_i32_0 = arith.constant 0 : i32
    %c0_i32_1 = arith.constant 0 : i32
    return %c0_i32, %c0_i32_0 : i32, i32
  }
  func.func @transform_5(%arg0: i32) -> (i32, i32) {
    %c0_i32 = arith.constant 0 : i32
    %c0_i32_0 = arith.constant 0 : i32
    return %arg0, %c0_i32 : i32, i32
  }
}

</mosaic_0001>

<sc_bundles>
// kernel: kernel.4.cloned.1.call-start
scs
__scs_entry_jumppad:
0x0: {  	(pc) =	sbr.rel $0x88, $3  }
0x1: {  	(tag) =	ssettag $0x0;
	lr =	simm.s32 $0x1  }
0x2: {  	[smem:$0x3F9C] =	sst lr;
	_ =	strace $0xD0000000  }
0x3: {  	_ = 	snop  }
0x4: {  	_ = 	snop  }
0x5: {  	_ = 	snop  }
0x6: {  	_ = 	snop  }
0x7: {  	_ = 	snop  }
__scs_overlays_trampoline_lowered:
0x8: {  	[smem:$0x3FAB] =	sst s0  }
0x9: {  	[smem:$0x3FAC] =	sst s1  }
0xa: {  	[smem:$0x3FAD] =	sst s2  }
0xb: {  	[smem:$0x3FAE] =	sst s3  }
0xc: {  	[smem:$0x3FAF] =	sst s4  }
0xd: {  	[smem:$0x3FB0] =	sst s5  }
0xe: {  	[smem:$0x3FB1] =	sst s6  }
0xf: {  	[smem:$0x3FB2] =	sst s7  }
0x10: {  	[smem:$0x3FB3] =	sst s8  }
0x11: {  	[smem:$0x3FB4] =	sst s9;
	s0 =	simm.s32 @!p0 $0x0  }
0x12: {  	s1 =	sld [smem:$0x3F9A];
	s0 =	simm.s32 @p0 $0x1  }
0x13: {  	[smem:$0x3FB5] =	sst s0;
	s0 =	simm.s32 @!p1 $0x0  }
0x14: {  	s2 =	sld [smem:$0x3F99];
	s0 =	simm.s32 @p1 $0x1  }
0x15: {  	[smem:$0x3FB6] =	sst s0;
	s0 =	simm.s32 @!p2 $0x0  }
0x16: {  	s3 =	sld [smem:$0x3FDB];
	s0 =	simm.s32 @p2 $0x1  }
0x17: {  	s4 =	simm.s32 $0x1BF5;
	[smem:$0x3FB8] =	sst s0  }
0x18: {  	s0 =	sld [smem:$0x3F9B];
	_ =	swait.ge [sflag:s4], $0x0  }
0x19: {  	s7 =	sld [smem:$0x3F9C]  }
0x1a: {  	s8 =	sadd.s32 $0xFFFFE003, lr  }
0x1b: {  	s9 =	sadd.s32 $0xFFFFFEF7, lr;
	s5 =	simm.s32 $0xFFFFFFFF;
	p2 =	slt.u32 s8, $0xFFFFF086  }
0x1c: {  	p1 =	slt.u32 s9, $0xF7A;
	s5 =	simm.s32 @!p2 $0x0  }
0x1d: {  	s5 =	simm.s32 @p1 $0x1;
	p0 =	seq.s32 s7, s2  }
0x1e: {  	s7 =	smul.u32 @!p0 $0xF7A, s2;
	p2 =	seq.s32 @!p0 s5, $0x0  }
0x1f: {  	s9 =	smul.u32 $0xF7A, s1;
	s8 =	simm.s32 @!p0 $0x1BF5;
	p2 =	por !p2, p0  }
0x20: {  	[sflag:s8] =	ssyncset.s32 @!p0 $0xFFFFF086;
	s6 =	sadd.s32 @!p0 s3, s7;
	s7 =	simm.s32 @!p0 $0x108  }
0x21: {  	s3 =	sadd.s32 s3, s9;
	s6 =	sadd.s32 @!p0 $0x88, s6;
	s7 =	simm.s32 @p2 $0x1082  }
0x22: {  	[simem:s7], [sflag:s8] =	dma.local @!p0 [hbm:s6], $0xF7A  }
0x23: {  	s9 =	sor.u32 $0xD0000000, s2;
	s6 =	simm.s32 $0x108;
	_ =	swait.ge @!p0 [sflag:s8], $0x0  }
0x24: {  	s3 =	sadd.s32 $0x88, s3;
	s6 =	simm.s32 @!p1 $0x1082;
	[sflag:s4] =	ssyncset.s32 $0xFFFFF086  }
0x25: {  	[simem:s6], [sflag:s4] =	dma.local [hbm:s3], $0xF7A  }
0x26: {  	[smem:$0x3F9C] =	sst s1;
	(tag) =	ssettag s2;
	_ =	strace s9  }
0x27: {  	s1 =	sld [smem:$0x3FAC]  }
0x28: {  	s2 =	sld [smem:$0x3FAD]  }
0x29: {  	s4 =	sld [smem:$0x3FAF]  }
0x2a: {  	p0 =	seq.s32 s5, $0x0;
	s5 =	sld [smem:$0x3FB0]  }
0x2b: {  	s6 =	sld [smem:$0x3FB1]  }
0x2c: {  	s7 =	sld [smem:$0x3FB2]  }
0x2d: {  	s3 =	simm.s32 $0x108;
	s8 =	sld [smem:$0x3FB3]  }
0x2e: {  	s3 =	simm.s32 @!p0 $0x1082;
	s9 =	sld [smem:$0x3FB4]  }
0x2f: {  	lr =	sadd.s32 s0, s3;
	s0 =	sld [smem:$0x3FAB]  }
0x30: {  	s3 =	sld [smem:$0x3FAE]  }
0x31: {  	[smem:$0x3FB7] =	sst s10  }
0x32: {  	s10 =	sld [smem:$0x3FB5];
	_ =	sdelay $0x3  }
0x33: {  	p0 =	seq.s32 s10, $0x1;
	s10 =	sld [smem:$0x3FB7];
	_ =	sdelay $0x3  }
0x34: {  	[smem:$0x3FB7] =	sst s10  }
0x35: {  	s10 =	sld [smem:$0x3FB6];
	_ =	sdelay $0x3  }
0x36: {  	p1 =	seq.s32 s10, $0x1;
	s10 =	sld [smem:$0x3FB7];
	_ =	sdelay $0x3  }
0x37: {  	[smem:$0x3FB7] =	sst s10  }
0x38: {  	s10 =	sld [smem:$0x3FB8]  }
0x39: {  	_ = 	snop;
	(pc) =	sbr.ind lr, $3  }
0x3a: {  	_ = 	snop  }
0x3b: {  	_ = 	snop  }
0x3c: {  	p2 =	seq.s32 s10, $0x1;
	s10 =	sld [smem:$0x3FB7]  }
0x3d: {  	_ =	shalt  }
0x3e: {  	_ =	shalt  }
0x3f: {  	_ =	shalt  }
0x40: {  	_ =	shalt  }
0x41: {  	_ =	shalt  }
0x42: {  	_ =	shalt  }
0x43: {  	_ =	shalt  }
0x44: {  	_ =	shalt  }
0x45: {  	_ =	shalt  }
0x46: {  	_ =	shalt  }
0x47: {  	_ =	shalt  }
0x48: {  	_ =	shalt  }
0x49: {  	_ =	shalt  }
0x4a: {  	_ =	shalt  }
0x4b: {  	_ =	shalt  }
0x4c: {  	_ =	shalt  }
0x4d: {  	_ =	shalt  }
0x4e: {  	_ =	shalt  }
0x4f: {  	_ =	shalt  }
0x50: {  	_ =	shalt  }
0x51: {  	_ =	shalt  }
0x52: {  	_ =	shalt  }
0x53: {  	_ =	shalt  }
0x54: {  	_ =	shalt  }
0x55: {  	_ =	shalt  }
0x56: {  	_ =	shalt  }
0x57: {  	_ =	shalt  }
0x58: {  	_ =	shalt  }
0x59: {  	_ =	shalt  }
0x5a: {  	_ =	shalt  }
0x5b: {  	_ =	shalt  }
0x5c: {  	_ =	shalt  }
0x5d: {  	_ =	shalt  }
0x5e: {  	_ =	shalt  }
0x5f: {  	_ =	shalt  }
0x60: {  	_ =	shalt  }
0x61: {  	_ =	shalt  }
0x62: {  	_ =	shalt  }
0x63: {  	_ =	shalt  }
0x64: {  	_ =	shalt  }
0x65: {  	_ =	shalt  }
0x66: {  	_ =	shalt  }
0x67: {  	_ =	shalt  }
0x68: {  	_ =	shalt  }
0x69: {  	_ =	shalt  }
0x6a: {  	_ =	shalt  }
0x6b: {  	_ =	shalt  }
0x6c: {  	_ =	shalt  }
0x6d: {  	_ =	shalt  }
0x6e: {  	_ =	shalt  }
0x6f: {  	_ =	shalt  }
0x70: {  	_ =	shalt  }
0x71: {  	_ =	shalt  }
0x72: {  	_ =	shalt  }
0x73: {  	_ =	shalt  }
0x74: {  	_ =	shalt  }
0x75: {  	_ =	shalt  }
0x76: {  	_ =	shalt  }
0x77: {  	_ =	shalt  }
0x78: {  	_ =	shalt  }
0x79: {  	_ =	shalt  }
0x7a: {  	_ =	shalt  }
0x7b: {  	_ =	shalt  }
0x7c: {  	_ =	shalt  }
0x7d: {  	_ =	shalt  }
0x7e: {  	_ =	shalt  }
0x7f: {  	_ =	shalt  }
0x80: {  	_ =	shalt  }
0x81: {  	_ =	shalt  }
0x82: {  	_ =	shalt  }
0x83: {  	_ =	shalt  }
0x84: {  	_ =	shalt  }
0x85: {  	_ =	shalt  }
0x86: {  	_ =	shalt  }
0x87: {  	_ =	shalt  }
.Lfunc_end0:
.L_simem_size_0:
called_computation_lowered:
.L_overlay_start_0:
0x88: {  	s2 =	sld [smem:$0x3FD9]  }
0x89: {  	s3 =	sld [smem:$0x3FFE];
	_ =	sdelay $0x1  }
0x8a: {  	s1 =	srdreg.scid  }
0x8b: {  	s0 =	sand.u32 $0x1, s1  }
0x8c: {  	s17 =	sshll.u32 s0, $0xA;
	s2 =	sadd.s32 s3, s2  }
0x8d: {  	s2 =	sadd.s32 s2, s17  }
0x8e: {  	[smem:$0x3FC3] =	sst s2  }
0x8f: {  	_ = 	snop  }
0x90: {  	s2 =	sld [smem:$0x3FC9]  }
0x91: {  	s18 =	sld [smem:$0x3FD0];
	(tm) =	ssettm $0x1  }
0x92: {  	s4 =	sld [smem:$0x3FFB];
	_ =	sdelay $0x3  }
0x93: {  	_ =	strace s4  }
0x94: {  	s4 =	sld [smem:$0x3FFC];
	_ =	sdelay $0x3  }
0x95: {  	_ =	strace s4  }
0x96: {  	s4 =	sld [smem:$0x3FFD];
	_ =	sdelay $0x3  }
0x97: {  	_ =	strace s4  }
0x98: {  	_ =	strace $0x8FFFFFFF  }
0x99: {  	s19 =	sld [smem:$0x3FDB];
	_ =	sdelay $0x1  }
0x9a: {  	s5 =	simm.s32 $_scs_section_size  }
0x9b: {  	s6 =	simm.s32 $_size__tile_overlayer_lowered;
	s7 =	simm.s32 $_tile_overlayer_lowered  }
0x9c: {  	s22 =	simm.s32 $0x1BFF;
	s21 =	sshll.u32 s7, $0x1;
	s4 =	sadd.s32 s5, s19  }
0x9d: {  	s8 =	simm.s32 $0x0;
	s20 =	sshll.u32 s6, $0x1;
	s6 =	sadd.s32 s21, s4  }
0x9e: {  	[timem:s8], [sflag:s22] =	dma.local [hbm:s6], s20  }
0x9f: {  	_ =	swait.ge [sflag:s22], s20  }
0xa0: {  	s5 =	ssub.s32 $0x0, s20;
	[sflag:s22] =	ssyncset.done $0x0  }
0xa1: {  	[sflag:s22] =	ssyncadd.s32 s5;
	_ =	sdelay $0x1  }
0xa2: {  	s23 =	simm.s32 $0x1B8B  }
0xa3: {  	_ =	swait.ge [sflag:s23], $0x1  }
0xa4: {  	[sflag:s23] =	ssyncset.done $0x0  }
0xa5: {  	s25 =	simm.s32 $0x1B8E;
	s24 =	sld [smem:$0x3FFE];
	[sflag:s23] =	ssyncadd.s32 $0xFFFFFFFF  }
0xa6: {  	s26 =	simm.s32 $execute0_lowered;
	[smem:$0x3FD2] =	sst s25  }
0xa7: {  	s6 =	sshll.u32 s26, $0x1;
	_ =	strace $0x80000046;
	[dreg:$0x1] =	wrdreg $0xFFFFFFFF  }
0xa8: {  	s28 =	simm.s32 $_size_execute0_lowered;
	s4 =	sadd.s32 s4, s6;
	[dreg:$0x0] =	wrdreg $0x0  }
0xa9: {  	s6 =	sshll.u32 s28, $0x1;
	[dreg:$0x2] =	wrdreg s4  }
0xaa: {  	[dreg:$0x3] =	wrdreg s6  }
0xab: {  	[dreg:$0x4] =	wrdreg $0xC0  }
0xac: {  	_ =	task [dreg:s8], $0x5FFFF  }
0xad: {  	[dreg:$0x1] =	wrdreg $0xFFFFFFFF  }
0xae: {  	[dreg:$0x0] =	wrdreg $0x60  }
0xaf: {  	[dreg:$0x2] =	wrdreg s2  }
0xb0: {  	[dreg:$0x3] =	wrdreg s18  }
0xb1: {  	[dreg:$0x4] =	wrdreg s24  }
0xb2: {  	[dreg:$0x5] =	wrdreg $0x111200  }
0xb3: {  	[dreg:$0x6] =	wrdreg $0x1B1200  }
0xb4: {  	[dreg:$0x7] =	wrdreg $0x9  }
0xb5: {  	_ =	task.clear_ibuf [dreg:s8], $0x8FFFF;
	_ =	strace $0x90000046  }
0xb6: {  	s29 =	simm.s32 $0x9;
	_ =	strace $0x80000048  }
0xb7: {  	_ =	swait.ge [sflag:s29], $0x1  }
0xb8: {  	[sflag:s29] =	ssyncadd.s32 $0xFFFFFFFF  }
0xb9: {  	_ =	strace $0x90000048  }
0xba: {  	_ =	sfence  }
0xbb: {  	s30 =	sld [smem:$0x0];
	_ =	sdelay $0x2  }
0xbc: {  	s31 =	sshll.u32 s1, $0xD;
	s1 =	sshrl.u32 s1, $0x2  }
0xbd: {  	s3 =	sand.u32 $0x4000, s31;
	s1 =	sadd.s32 s1, s30  }
0xbe: {  	s0 =	sor.u32 s3, s0;
	s1 =	sshll.u32 s1, $0x11  }
0xbf: {  	s0 =	sor.u32 s1, s0  }
0xc0: {  	s0 =	sadd.s32 $0x8F2B, s0  }
0xc1: {  	[sflag:s0] =	ssyncadd.remote.s32 $0x1  }
0xc2: {  	_ =	sfence.sel $0xFFFF  }
0xc3: {  	[dreg:$0x0] =	wrdreg $0xFFFFFFFF;
	(pc) =	sbr.abs _section_cstart, $3  }
0xc4: {  	[dreg:$0x1] =	wrdreg $0xFFFFFFFF  }
0xc5: {  	_ =	task.clear_ibuf [dreg:s8], $0x2FFFF;
	_ =	strace $0x9FFFFFFF  }
0xc6: {  	(tm) =	ssettm $0x7FFFFFFF  }
0xc7: {  	_ =	shalt  }
tec
execute0_lowered:
.L_overlay_start_1:
0x0: {  	(tag) =	ssettag $0x1  }
0x1: {  	s1 =	rddreg [dreg:$0x0]  }
0x2: {  	s0 =	rddreg [dreg:$0x1]  }
0x3: {  	s3 =	rddreg [dreg:$0x2]  }
0x4: {  	s2 =	rddreg [dreg:$0x3];
	s16 =	stileid.u32  }
0x5: {  	s5 =	srdreg.scid;
	s4 =	rddreg [dreg:$0x4]  }
0x6: {  	s28 =	simm.s32 $0x3;
	s29 =	simm.s32 $0x10100;
	s6 =	smul.u32 $0x5140, s16  }
0x7: {  	s31 =	simm.s32 $0xBB80;
	s30 =	simm.s32 $0x1;
	s8 =	smul.u32 $0xA000, s16  }
0x8: {  	s7 =	sand.u32 $0x1, s5;
	s5 =	simm.s32 $0x0;
	s11 =	smul.u32 $0x2800, s16  }
0x9: {  	s13 =	sadd.s32 $0xE00, s3;
	s22 =	sadd.s32 $0x1200, s3;
	s17 =	smul.u32 $0x280, s16  }
0xa: {  	s23 =	sadd.s32 $0x1000, s3;
	p2 =	slt.u32 s16, $0xA;
	s9 =	smul.u32 $0xA0000, s7  }
0xb: {  	[smem:$0x7FF] =	sst s5;
	s21 =	smul.u32 $0x28000, s7;
	s24 =	ssub.s32 $0x2, s7  }
0xc: {  	p1 =	seq.s32 s7, $0x0;
	_ =	strace $0x80000047;
	[dreg:$0x6] =	wrdreg s13  }
0xd: {  	p0 =	seq.s32 s7, $0x1;
	s10 =	sshrl.u32 s6, $0x3;
	[dreg:$0x7] =	wrdreg s22  }
0xe: {  	[dreg:$0x8] =	wrdreg s23;
	s25 =	sshrl.u32 s24, $0x1;
	s26 =	sadd.s32 $0x80, s17  }
0xf: {  	s14 =	sadd.s32 $0x100, s17;
	s20 =	sadd.s32 $0x180, s17;
	p1 =	por !p1, !p2  }
0x10: {  	s12 =	sadd.s32 s10, s3;
	s9 =	sadd.s32 s8, s9;
	s10 =	sadd.s32 s11, s21  }
0x11: {  	s13 =	ssub.s32 s24, s25;
	s15 =	sshll.u32 s26, $0x6;
	s18 =	sshll.u32 s14, $0x6  }
0x12: {  	s22 =	sshll.u32 s14, $0x4;
	s24 =	sadd.s32 $0x200, s17;
	p1 =	por !p1, !p1  }
0x13: {  	s9 =	sshrl.u32 s9, $0x3;
	s10 =	sshrl.u32 s10, $0x3;
	s19 =	sadd.s32 s18, s2  }
0x14: {  	s18 =	smul.u32 $0x51400, s7;
	s25 =	sshll.u32 s24, $0x6;
	s21 =	sadd.s32 s9, s3  }
0x15: {  	s3 =	sadd.s32 s10, s3;
	s9 =	sadd.s32 s8, s2;
	s10 =	sadd.s32 s11, s4  }
0x16: {  	s11 =	sadd.s32 s15, s2;
	s8 =	sshll.u32 s26, $0x4;
	[dreg:$0xb] =	wrdreg s19  }
0x17: {  	s15 =	sshll.u32 s20, $0x6;
	s26 =	smul.u32 $0x340, s16;
	[dreg:$0x9] =	wrdreg s11  }
0x18: {  	s8 =	sadd.s32 s8, s4;
	s11 =	sadd.s32 s22, s4;
	s23 =	sadd.s32 s15, s2  }
0x19: {  	s6 =	sadd.s32 s6, s18;
	s21 =	sadd.s32 $0xB800, s21;
	[dreg:$0xa] =	wrdreg s8  }
0x1a: {  	s22 =	sadd.s32 $0x33800, s3;
	s3 =	simm.s32 $0x64;
	[dreg:$0xc] =	wrdreg s11  }
0x1b: {  	[dreg:$0xd] =	wrdreg s23;
	s8 =	sshll.u32 s20, $0x4;
	s6 =	sshrl.u32 s6, $0x3  }
0x1c: {  	s11 =	sadd.s32 s25, s2;
	s20 =	sadd.s32 $0x1400, s12;
	s23 =	smax.u32 s13, $0x1  }
0x1d: {  	s8 =	sadd.s32 s8, s4;
	[dreg:$0xf] =	wrdreg s11;
	s19 =	sadd.s32 s0, s6  }
0x1e: {  	s0 =	sshrl.u32 s26, $0x2;
	[dreg:$0xe] =	wrdreg s8;
	s8 =	sshll.u32 s24, $0x4  }
0x1f: {  	s26 =	simm.s32 $0xE100;
	s24 =	sadd.s32 $0x10900, s0;
	s8 =	sadd.s32 s8, s4  }
0x20: {  	v0 =	vimm.f32 $0.0e+00;
	s25 =	sadd.s32 $0x10968, s0;
	s0 =	simm.s32 $0xA280;
	[dreg:$0x10] =	wrdreg s8  }
.LBB2_1:
0x21: {  	s6 =	simm.s32 $0xE120  }
0x22: {  	[tilespmem:s6+$0x0] =	vst v0  }
0x23: {  	[tilespmem:s6+$0xFFFFFFE0] =	vst v0  }
0x24: {  	[tilespmem:s6+$0x10] =	vst v0  }
0x25: {  	s7 =	simm.s32 $0x40;
	s8 =	simm.s32 $0x0;
	[tilespmem:s6+$0xFFFFFFF0] =	vst v0  }
.LBB2_2:
0x26: {  	p2 =	sne.s32 s7, $0x1FC0  }
0x27: {  	[tilespmem:s8+$0x10100] =	vst v0;
	s6 =	sadd.s32 $0x40, s6;
	s8 =	smov.u32 s7;
	s7 =	sadd.s32 $0x40, s7  }
.Ltmp0:
0x28: {  	[tilespmem:s6+$0x0] =	vst v0;
	(pc) =	sbr.rel @p2 .LBB2_2-.Ltmp0, $4  }
0x29: {  	_ = 	snop  }
0x2a: {  	[tilespmem:s6+$0xFFFFFFE0] =	vst v0  }
0x2b: {  	[tilespmem:s6+$0x10] =	vst v0  }
0x2c: {  	s8 =	sshra.s32 s8, $0x2;
	[tilespmem:s6+$0xFFFFFFF0] =	vst v0  }
0x2d: {  	[tilespmem:s8+$0x10100] =	vst v0  }
0x2e: {  	[spmem:s9] =	stream.linear.scatter [tilespmem:s26], [sflag:$0x3], $0x2000, $0x38;
	[tilespmem:$0x1D920] =	vst v63  }
0x2f: {  	_ =	swait.ge [sflag:s28], $0x2000  }
0x30: {  	[sflag:s28] =	ssyncset.done $0x0  }
0x31: {  	[sflag:s28] =	ssyncadd.s32 $0xFFFFE000  }
0x32: {  	[spmem:s10] =	stream.linear.scatter [tilespmem:s29], [sflag:$0x3], $0x800, $0x38;
	[tilespmem:$0x1D920] =	vst v63  }
0x33: {  	_ =	swait.ge [sflag:s28], $0x800  }
0x34: {  	[sflag:s28] =	ssyncset.done $0x0  }
0x35: {  	s6 =	rddreg [dreg:$0x9];
	[sflag:s28] =	ssyncadd.s32 $0xFFFFF800  }
0x36: {  	[spmem:s6] =	stream.linear.scatter [tilespmem:s26], [sflag:$0x3], $0x2000, $0x38;
	[tilespmem:$0x1D920] =	vst v63  }
0x37: {  	_ =	swait.ge [sflag:s28], $0x2000  }
0x38: {  	[sflag:s28] =	ssyncset.done $0x0  }
0x39: {  	s18 =	rddreg [dreg:$0xa];
	[sflag:s28] =	ssyncadd.s32 $0xFFFFE000  }
0x3a: {  	[spmem:s18] =	stream.linear.scatter [tilespmem:s29], [sflag:$0x3], $0x800, $0x38;
	[tilespmem:$0x1D920] =	vst v63  }
0x3b: {  	_ =	swait.ge [sflag:s28], $0x800  }
0x3c: {  	[sflag:s28] =	ssyncset.done $0x0  }
0x3d: {  	s7 =	rddreg [dreg:$0xb];
	[sflag:s28] =	ssyncadd.s32 $0xFFFFF800  }
0x3e: {  	[spmem:s7] =	stream.linear.scatter [tilespmem:s26], [sflag:$0x3], $0x2000, $0x38;
	[tilespmem:$0x1D920] =	vst v63  }
0x3f: {  	_ =	swait.ge [sflag:s28], $0x2000  }
0x40: {  	[sflag:s28] =	ssyncset.done $0x0  }
0x41: {  	s8 =	rddreg [dreg:$0xc];
	[sflag:s28] =	ssyncadd.s32 $0xFFFFE000  }
0x42: {  	[spmem:s8] =	stream.linear.scatter [tilespmem:s29], [sflag:$0x3], $0x800, $0x38;
	[tilespmem:$0x1D920] =	vst v63  }
0x43: {  	_ =	swait.ge [sflag:s28], $0x800  }
0x44: {  	[sflag:s28] =	ssyncset.done $0x0  }
0x45: {  	s11 =	rddreg [dreg:$0xd];
	[sflag:s28] =	ssyncadd.s32 $0xFFFFF800  }
0x46: {  	[spmem:s11] =	stream.linear.scatter [tilespmem:s26], [sflag:$0x3], $0x2000, $0x38;
	[tilespmem:$0x1D920] =	vst v63  }
0x47: {  	_ =	swait.ge [sflag:s28], $0x2000  }
0x48: {  	[sflag:s28] =	ssyncset.done $0x0  }
0x49: {  	s12 =	rddreg [dreg:$0xe];
	[sflag:s28] =	ssyncadd.s32 $0xFFFFE000  }
0x4a: {  	[spmem:s12] =	stream.linear.scatter [tilespmem:s29], [sflag:$0x3], $0x800, $0x38;
	[tilespmem:$0x1D920] =	vst v63  }
0x4b: {  	_ =	swait.ge [sflag:s28], $0x800  }
0x4c: {  	[sflag:s28] =	ssyncset.done $0x0  }
0x4d: {  	s13 =	rddreg [dreg:$0xf];
	[sflag:s28] =	ssyncadd.s32 $0xFFFFF800  }
0x4e: {  	[spmem:s13] =	stream.linear.scatter [tilespmem:s26], [sflag:$0x3], $0x2000, $0x38;
	[tilespmem:$0x1D920] =	vst v63  }
0x4f: {  	_ =	swait.ge [sflag:s28], $0x2000  }
0x50: {  	[sflag:s28] =	ssyncset.done $0x0  }
0x51: {  	s14 =	rddreg [dreg:$0x10];
	[sflag:s28] =	ssyncadd.s32 $0xFFFFE000  }
0x52: {  	[spmem:s14] =	stream.linear.scatter [tilespmem:s29], [sflag:$0x3], $0x800, $0x38;
	[tilespmem:$0x1D920] =	vst v63  }
0x53: {  	_ =	swait.ge [sflag:s28], $0x800  }
0x54: {  	[sflag:s28] =	ssyncset.done $0x0  }
0x55: {  	[sflag:s28] =	ssyncadd.s32 $0xFFFFF800  }
0x56: {  	s15 =	simm.s32 $0x0;
	[bflag:$0x0] =	sbarrier.arrive $0xFFFF  }
0x57: {  	[tilespmem:s15], [sflag:$0x3] =	stream.linear.gather [hbm4b:s19+s15], $0x5140, $0x38;
	[tilespmem:$0x1D920] =	vst v63  }
0x58: {  	_ =	swait.ge [sflag:s28], $0x5140  }
0x59: {  	[sflag:s28] =	ssyncset.done $0x0  }
0x5a: {  	s7 =	simm.s32 $0x5140;
	[sflag:s28] =	ssyncadd.s32 $0xFFFFAEC0  }
0x5b: {  	[tilespmem:s7], [sflag:$0x3] =	stream.linear.gather [hbm4b:s20+s15], $0x5140, $0x38;
	[tilespmem:$0x1D920] =	vst v63  }
0x5c: {  	_ =	swait.ge [sflag:s28], $0x5140  }
0x5d: {  	[sflag:s28] =	ssyncset.done $0x0  }
0x5e: {  	s17 =	simm.s32 $0xD480;
	s16 =	rddreg [dreg:$0x7];
	[sflag:s28] =	ssyncadd.s32 $0xFFFFAEC0  }
0x5f: {  	[tilespmem:s17], [sflag:$0x3] =	stream.linear.gather [hbm4b:s16+s15], $0x640, $0x38;
	[tilespmem:$0x1D920] =	vst v63  }
0x60: {  	_ =	swait.ge [sflag:s28], $0x640  }
0x61: {  	[sflag:s28] =	ssyncset.done $0x0  }
0x62: {  	[sflag:s28] =	ssyncadd.s32 $0xFFFFF9C0  }
0x63: {  	[tilespmem:s0], [sflag:$0x1] =	stream.indirect.gather [hbm4b:s1+s3], $0x40, s15, s3, $0xb8;
	[tilespmem:$0x1D920] =	vst v63  }
0x64: {  	s18 =	simm.s32 $0x68  }
0x65: {  	[tilespmem:s31], [sflag:$0x2] =	stream.indirect.gather [hbm4b:s1+s3], $0x40, s18, s3, $0xb8;
	[tilespmem:$0x1D920] =	vst v63  }
0x66: {  	p2 =	por $0x1, $0x1;
	s6 =	simm.s32 $0x1;
	_ =	swait.ge [sflag:s30], $0x1900  }
0x67: {  	s6 =	simm.s32 @!p0 $0x0;
	s8 =	simm.s32 $0x1;
	[sflag:s30] =	ssyncset.done $0x0  }
0x68: {  	s8 =	simm.s32 @!p2 $0x0;
	s7 =	simm.s32 $0x5140;
	[sflag:s30] =	ssyncadd.s32 $0xFFFFE700  }
0x69: {  	[spmem:s2] =	stream.indirect.scatter.add.f32 [tilespmem:s0], [sflag:$0x3], $0x40, s7, s3, $0xb8;
	[tilespmem:$0x1D920] =	vst v63  }
0x6a: {  	p2 =	seq.s32 s8, s6;
	_ =	swait.ge [sflag:s28], $0x1900  }
0x6b: {  	s8 =	simm.s32 @p2 $0xD0;
	s11 =	simm.s32 @p2 $0x64;
	[sflag:s28] =	ssyncset.done $0x0  }
0x6c: {  	s12 =	simm.s32 @p2 $0xA280;
	s13 =	simm.s32 @p2 $0x2;
	[sflag:s28] =	ssyncadd.s32 $0xFFFFE700  }
0x6d: {  	[tilespmem:s12], [sflag:$0x1] =	stream.indirect.gather @p2 [hbm4b:s1+s11], $0x40, s8, s11, $0xb8;
	[tilespmem:$0x1D920] =	vst v63  }
0x6e: {  	_ =	swait.ge @p2 [sflag:s13], $0x1900  }
0x6f: {  	s8 =	simm.s32 $0x51A8;
	[sflag:s13] =	ssyncset.done @p2 $0x0  }
0x70: {  	s12 =	simm.s32 @p2 $0xBB80;
	[sflag:s13] =	ssyncadd.s32 @p2 $0xFFFFE700;
	s13 =	simm.s32 @p2 $0x3  }
0x71: {  	[spmem:s2] =	stream.indirect.scatter.add.f32 @p2 [tilespmem:s12], [sflag:$0x3], $0x40, s8, s11, $0xb8;
	[tilespmem:$0x1D920] =	vst v63  }
0x72: {  	_ =	swait.ge @p2 [sflag:s13], $0x1900  }
0x73: {  	s11 =	simm.s32 @!p2 $0x64;
	[sflag:s13] =	ssyncset.done @p2 $0x0  }
0x74: {  	s12 =	simm.s32 @!p2 $0xD480;
	[sflag:s13] =	ssyncadd.s32 @p2 $0xFFFFE700;
	s13 =	simm.s32 @!p2 $0x3  }
0x75: {  	[spmem:s4] =	stream.indirect.scatter.add.f32 @!p2 [tilespmem:s12], [sflag:$0x3], $0x10, s7, s11, $0xb8;
	[tilespmem:$0x1D920] =	vst v63  }
0x76: {  	_ =	swait.ge @!p2 [sflag:s13], $0x640  }
0x77: {  	[sflag:s13] =	ssyncset.done @!p2 $0x0  }
0x78: {  	s14 =	simm.s32 @!p2 $0xA280;
	s7 =	simm.s32 @!p2 $0xD0;
	[sflag:s13] =	ssyncadd.s32 @!p2 $0xFFFFF9C0  }
0x79: {  	[tilespmem:s14], [sflag:$0x1] =	stream.indirect.gather @!p2 [hbm4b:s1+s11], $0x40, s7, s11, $0xb8;
	[tilespmem:$0x1D920] =	vst v63  }
0x7a: {  	s7 =	simm.s32 @!p2 $0x2  }
0x7b: {  	_ =	swait.ge @!p2 [sflag:s7], $0x1900  }
0x7c: {  	[sflag:s7] =	ssyncset.done @!p2 $0x0  }
0x7d: {  	[sflag:s7] =	ssyncadd.s32 @!p2 $0xFFFFE700;
	s7 =	simm.s32 @!p2 $0xBB80  }
0x7e: {  	[spmem:s2] =	stream.indirect.scatter.add.f32 @!p2 [tilespmem:s7], [sflag:$0x3], $0x40, s8, s11, $0xb8;
	[tilespmem:$0x1D920] =	vst v63  }
0x7f: {  	_ =	swait.ge @!p2 [sflag:s13], $0x1900  }
0x80: {  	[sflag:s13] =	ssyncset.done @!p2 $0x0  }
0x81: {  	[sflag:s13] =	ssyncadd.s32 @!p2 $0xFFFFE700  }
0x82: {  	[spmem:s4] =	stream.indirect.scatter.add.f32 @!p2 [tilespmem:s12], [sflag:$0x3], $0x10, s8, s11, $0xb8;
	[tilespmem:$0x1D920] =	vst v63  }
0x83: {  	s7 =	simm.s32 $0x138;
	s8 =	simm.s32 $0x1;
	_ =	swait.ge @!p2 [sflag:s13], $0x640  }
0x84: {  	s11 =	simm.s32 $0x5278;
	s12 =	simm.s32 $0x138;
	[sflag:s13] =	ssyncset.done @!p2 $0x0  }
.LBB2_4:
0x85: {  	[sflag:s13] =	ssyncadd.s32 @!p2 $0xFFFFF9C0;
	s7 =	sadd.s32 $0xD0, s7  }
0x86: {  	s13 =	smov.u32 s8;
	s8 =	sadd.s32 $0x1, s8;
	s14 =	sadd.s32 $0xFFFFFF98, s11  }
0x87: {  	[tilespmem:s31], [sflag:$0x2] =	stream.indirect.gather [hbm4b:s1+s3], $0x40, s12, s3, $0xb8;
	[tilespmem:$0x1D920] =	vst v63  }
0x88: {  	p3 =	sne.s32 s8, $0x63;
	s12 =	smov.u32 s7;
	_ =	swait.ge [sflag:s30], $0x1900  }
0x89: {  	p2 =	slt.u32 s13, $0x32;
	s13 =	simm.s32 $0x1;
	[sflag:s30] =	ssyncset.done $0x0  }
0x8a: {  	s13 =	simm.s32 @!p2 $0x0;
	[sflag:s30] =	ssyncadd.s32 $0xFFFFE700  }
0x8b: {  	[spmem:s2] =	stream.indirect.scatter.add.f32 [tilespmem:s0], [sflag:$0x3], $0x40, s14, s3, $0xb8;
	[tilespmem:$0x1D920] =	vst v63  }
0x8c: {  	p2 =	seq.s32 s13, s6;
	_ =	swait.ge [sflag:s28], $0x1900  }
0x8d: {  	s13 =	sadd.s32 @p2 $0xFFFFFF98, s7;
	s15 =	simm.s32 @p2 $0x64;
	[sflag:s28] =	ssyncset.done $0x0  }
0x8e: {  	s16 =	simm.s32 @p2 $0xA280;
	s17 =	simm.s32 @p2 $0x2;
	[sflag:s28] =	ssyncadd.s32 $0xFFFFE700  }
0x8f: {  	[tilespmem:s16], [sflag:$0x1] =	stream.indirect.gather @p2 [hbm4b:s1+s15], $0x40, s13, s15, $0xb8;
	[tilespmem:$0x1D920] =	vst v63  }
0x90: {  	_ =	swait.ge @p2 [sflag:s17], $0x1900  }
0x91: {  	s13 =	simm.s32 @p2 $0xBB80;
	[sflag:s17] =	ssyncset.done @p2 $0x0  }
0x92: {  	s16 =	simm.s32 @p2 $0x3;
	[sflag:s17] =	ssyncadd.s32 @p2 $0xFFFFE700  }
0x93: {  	[spmem:s2] =	stream.indirect.scatter.add.f32 @p2 [tilespmem:s13], [sflag:$0x3], $0x40, s11, s15, $0xb8;
	[tilespmem:$0x1D920] =	vst v63  }
0x94: {  	_ =	swait.ge @p2 [sflag:s16], $0x1900  }
0x95: {  	s17 =	simm.s32 @!p2 $0xD480;
	s15 =	simm.s32 @!p2 $0x64;
	[sflag:s16] =	ssyncset.done @p2 $0x0  }
0x96: {  	s13 =	simm.s32 @!p2 $0x3;
	[sflag:s16] =	ssyncadd.s32 @p2 $0xFFFFE700  }
0x97: {  	[spmem:s4] =	stream.indirect.scatter.add.f32 @!p2 [tilespmem:s17], [sflag:$0x3], $0x10, s14, s15, $0xb8;
	[tilespmem:$0x1D920] =	vst v63  }
0x98: {  	_ =	swait.ge @!p2 [sflag:s13], $0x640  }
0x99: {  	s16 =	simm.s32 @!p2 $0xA280;
	s14 =	sadd.s32 @!p2 $0xFFFFFF98, s7;
	[sflag:s13] =	ssyncset.done @!p2 $0x0  }
0x9a: {  	s18 =	simm.s32 @!p2 $0x2;
	[sflag:s13] =	ssyncadd.s32 @!p2 $0xFFFFF9C0  }
0x9b: {  	[tilespmem:s16], [sflag:$0x1] =	stream.indirect.gather @!p2 [hbm4b:s1+s15], $0x40, s14, s15, $0xb8;
	[tilespmem:$0x1D920] =	vst v63  }
0x9c: {  	_ =	swait.ge @!p2 [sflag:s18], $0x1900  }
0x9d: {  	s14 =	simm.s32 @!p2 $0xBB80;
	[sflag:s18] =	ssyncset.done @!p2 $0x0  }
0x9e: {  	[sflag:s18] =	ssyncadd.s32 @!p2 $0xFFFFE700  }
0x9f: {  	[spmem:s2] =	stream.indirect.scatter.add.f32 @!p2 [tilespmem:s14], [sflag:$0x3], $0x40, s11, s15, $0xb8;
	[tilespmem:$0x1D920] =	vst v63  }
0xa0: {  	_ =	swait.ge @!p2 [sflag:s13], $0x1900  }
.Ltmp1:
0xa1: {  	[sflag:s13] =	ssyncset.done @!p2 $0x0;
	(pc) =	sbr.rel @p3 .LBB2_4-.Ltmp1, $4  }
0xa2: {  	[sflag:s13] =	ssyncadd.s32 @!p2 $0xFFFFE700  }
0xa3: {  	[spmem:s4] =	stream.indirect.scatter.add.f32 @!p2 [tilespmem:s17], [sflag:$0x3], $0x10, s11, s15, $0xb8;
	[tilespmem:$0x1D920] =	vst v63  }
0xa4: {  	_ =	swait.ge @!p2 [sflag:s13], $0x640  }
0xa5: {  	s11 =	sadd.s32 $0xD0, s11;
	[sflag:s13] =	ssyncset.done @!p2 $0x0  }
0xa6: {  	[sflag:s13] =	ssyncadd.s32 @!p2 $0xFFFFF9C0  }
0xa7: {  	[tilespmem:s31], [sflag:$0x2] =	stream.indirect.gather [hbm4b:s1+s3], $0x40, s12, s3, $0xb8;
	[tilespmem:$0x1D920] =	vst v63  }
0xa8: {  	_ =	swait.ge [sflag:s30], $0x1900  }
0xa9: {  	[sflag:s30] =	ssyncset.done $0x0  }
0xaa: {  	s6 =	simm.s32 $0xA1B0;
	[sflag:s30] =	ssyncadd.s32 $0xFFFFE700  }
0xab: {  	[spmem:s2] =	stream.indirect.scatter.add.f32 [tilespmem:s0], [sflag:$0x3], $0x40, s6, s3, $0xb8;
	[tilespmem:$0x1D920] =	vst v63  }
0xac: {  	_ =	swait.ge [sflag:s28], $0x1900  }
0xad: {  	[sflag:s28] =	ssyncset.done $0x0  }
0xae: {  	s6 =	simm.s32 @!p0 $0x2;
	[sflag:s28] =	ssyncadd.s32 $0xFFFFE700  }
0xaf: {  	_ =	swait.ge @!p0 [sflag:s6], $0x1900  }
0xb0: {  	s7 =	simm.s32 @!p0 $0xA218;
	[sflag:s6] =	ssyncset.done @!p0 $0x0  }
0xb1: {  	s8 =	simm.s32 @!p0 $0xBB80;
	[sflag:s6] =	ssyncadd.s32 @!p0 $0xFFFFE700;
	s6 =	simm.s32 @!p0 $0x64  }
0xb2: {  	[spmem:s2] =	stream.indirect.scatter.add.f32 @!p0 [tilespmem:s8], [sflag:$0x3], $0x40, s7, s6, $0xb8;
	[tilespmem:$0x1D920] =	vst v63  }
0xb3: {  	s6 =	simm.s32 @!p0 $0x3  }
0xb4: {  	_ =	swait.ge @!p0 [sflag:s6], $0x1900  }
0xb5: {  	s7 =	simm.s32 @p0 $0xA1B0;
	[sflag:s6] =	ssyncset.done @!p0 $0x0  }
0xb6: {  	s8 =	simm.s32 @p0 $0xD480;
	[sflag:s6] =	ssyncadd.s32 @!p0 $0xFFFFE700;
	s6 =	simm.s32 @p0 $0x64  }
0xb7: {  	[spmem:s4] =	stream.indirect.scatter.add.f32 @p0 [tilespmem:s8], [sflag:$0x3], $0x10, s7, s6, $0xb8;
	[tilespmem:$0x1D920] =	vst v63  }
0xb8: {  	s7 =	simm.s32 @p0 $0x3  }
0xb9: {  	_ =	swait.ge @p0 [sflag:s7], $0x640  }
0xba: {  	[sflag:s7] =	ssyncset.done @p0 $0x0  }
0xbb: {  	s11 =	simm.s32 @p0 $0x2;
	[sflag:s7] =	ssyncadd.s32 @p0 $0xFFFFF9C0  }
0xbc: {  	_ =	swait.ge @p0 [sflag:s11], $0x1900  }
0xbd: {  	[sflag:s11] =	ssyncset.done @p0 $0x0  }
0xbe: {  	s12 =	simm.s32 @p0 $0xBB80;
	[sflag:s11] =	ssyncadd.s32 @p0 $0xFFFFE700;
	s11 =	simm.s32 @p0 $0xA218  }
0xbf: {  	[spmem:s2] =	stream.indirect.scatter.add.f32 @p0 [tilespmem:s12], [sflag:$0x3], $0x40, s11, s6, $0xb8;
	[tilespmem:$0x1D920] =	vst v63  }
0xc0: {  	_ =	swait.ge @p0 [sflag:s7], $0x1900  }
0xc1: {  	[sflag:s7] =	ssyncset.done @p0 $0x0  }
0xc2: {  	[sflag:s7] =	ssyncadd.s32 @p0 $0xFFFFE700  }
0xc3: {  	[spmem:s4] =	stream.indirect.scatter.add.f32 @p0 [tilespmem:s8], [sflag:$0x3], $0x10, s11, s6, $0xb8;
	[tilespmem:$0x1D920] =	vst v63  }
0xc4: {  	_ =	swait.ge @p0 [sflag:s7], $0x640  }
0xc5: {  	s6 =	simm.s32 @p1 $0x0;
	[sflag:s7] =	ssyncset.done @p0 $0x0  }
0xc6: {  	s8 =	rddreg [dreg:$0x6];
	[sflag:s7] =	ssyncadd.s32 @p0 $0xFFFFF9C0;
	s7 =	simm.s32 @p1 $0x10900  }
0xc7: {  	[tilespmem:s7], [sflag:$0x3] =	stream.linear.gather @p1 [hbm4b:s8+s6], $0x820, $0x38;
	[tilespmem:$0x1D920] =	vst v63  }
0xc8: {  	s7 =	simm.s32 @p1 $0x3  }
0xc9: {  	_ =	swait.ge @p1 [sflag:s7], $0x820  }
0xca: {  	[sflag:s7] =	ssyncset.done @p1 $0x0  }
0xcb: {  	s8 =	simm.s32 @p1 $0xDAC0;
	s11 =	rddreg [dreg:$0x8];
	[sflag:s7] =	ssyncadd.s32 @p1 $0xFFFFF7E0  }
0xcc: {  	[tilespmem:s8], [sflag:$0x3] =	stream.linear.gather @p1 [hbm4b:s11+s6], $0x640, $0x38;
	[tilespmem:$0x1D920] =	vst v63  }
0xcd: {  	_ =	swait.ge @p1 [sflag:s7], $0x640  }
0xce: {  	[sflag:s7] =	ssyncset.done @p1 $0x0  }
0xcf: {  	s6 =	simm.s32 @p1 $0x64;
	[sflag:s7] =	ssyncadd.s32 @p1 $0xFFFFF9C0  }
0xd0: {  	[spmem:s4] =	stream.indirect.scatter.add.f32 @p1 [tilespmem:s8], [sflag:$0x3], $0x10, s24, s6, $0xb8;
	[tilespmem:$0x1D920] =	vst v63  }
0xd1: {  	_ =	swait.ge @p1 [sflag:s7], $0x640  }
0xd2: {  	[sflag:s7] =	ssyncset.done @p1 $0x0  }
0xd3: {  	[sflag:s7] =	ssyncadd.s32 @p1 $0xFFFFF9C0  }
0xd4: {  	[spmem:s4] =	stream.indirect.scatter.add.f32 @p1 [tilespmem:s8], [sflag:$0x3], $0x10, s25, s6, $0xb8;
	[tilespmem:$0x1D920] =	vst v63  }
0xd5: {  	_ =	swait.ge @p1 [sflag:s7], $0x640  }
0xd6: {  	s16 =	stileid.u32;
	[sflag:s7] =	ssyncset.done @p1 $0x0  }
0xd7: {  	s6 =	sshll.u32 s16, $0x6;
	[sflag:s7] =	ssyncadd.s32 @p1 $0xFFFFF9C0  }
0xd8: {  	s17 =	sshrl.u32 s9, $0x3;
	s6 =	sor.u32 $0x1C03, s6;
	[bflag:$0x0] =	sbarrier.arrive $0xFFFF  }
0xd9: {  	[hbm:s21], [sflag:s6] =	dma.local [spmem:s17], $0x1400  }
0xda: {  	s5 =	sadd.s32 $0x1, s5;
	_ =	swait.ge [sflag:s28], $0x1400  }
0xdb: {  	p2 =	sne.s32 s5, s23;
	[sflag:s28] =	ssyncset.done $0x0  }
.Ltmp2:
0xdc: {  	s18 =	sshrl.u32 s10, $0x3;
	[sflag:s28] =	ssyncadd.s32 $0xFFFFEC00;
	(pc) =	sbr.rel @p2 .LBB2_1-.Ltmp2, $4  }
0xdd: {  	[hbm:s22], [sflag:s6] =	dma.local [spmem:s18], $0x500  }
0xde: {  	_ =	swait.ge [sflag:s28], $0x500  }
0xdf: {  	[sflag:s28] =	ssyncset.done $0x0  }
0xe0: {  	[sflag:s28] =	ssyncadd.s32 $0xFFFFFB00  }
0xe1: {  	_ =	sfence.sel $0x180000  }
0xe2: {  	[bflag:$0x0] =	sbarrier.arrive $0xFFFF  }
0xe3: {  	_ =	strace $0x90000047  }
0xe4: {  	s0 =	stileid.u32;
	[bflag:$0x2] =	sbarrier.arrive $0xFFFF  }
0xe5: {  	p0 =	sne.s32 s0, $0x0;
	s0 =	rddreg [dreg:$0x5]  }
0xe6: {  	s0 =	sadd.s32 @!p0 $0x100000, s0  }
0xe7: {  	[sflag:s0] =	ssyncadd.tile.s32 @!p0 $0x1;
	_ =	shalt  }
.Lfunc_end2:
_tile_overlayer_lowered:
.L_overlay_start_2:
0xe8: {  	(tag) =	ssettag $0x2  }
0xe9: {  	s0 =	rddreg [dreg:$0x0];
	s2 =	stileid.u32  }
0xea: {  	s1 =	rddreg [dreg:$0x1];
	p0 =	sne.s32 s2, $0x0  }
0xeb: {  	s3 =	rddreg [dreg:$0x2];
	[bflag:$0x3] =	sbarrier.arrive $0xFFFF;
	s2 =	simm.s32 @!p0 $0x1C03  }
0xec: {  	[timem:s3], [sflag:s2] =	dma.local @!p0 [hbm:s0], s1  }
0xed: {  	s0 =	simm.s32 @!p0 $0x3  }
0xee: {  	_ =	swait.ge @!p0 [sflag:s0], s1  }
0xef: {  	s1 =	ssub.s32 @!p0 $0x0, s1;
	[sflag:s0] =	ssyncset.done @!p0 $0x0  }
0xf0: {  	[sflag:s0] =	ssyncadd.s32 @!p0 s1  }
0xf1: {  	[bflag:$0x3] =	sbarrier.arrive $0xFFFF  }
0xf2: {  	_ =	shalt  }

</sc_bundles>
